<compile_context>
chip_gen: v7x
topology: tpu7x:2x2x1
jax: 0.10.2.dev20260603
libtpu: 0.0.44.dev20260713+nightly
codegen_flags: <defaults>
</compile_context>

<pallas_src>
import functools

import jax
import jax.numpy as jnp
from jax import lax
from jax.experimental import pallas as pl
from jax.experimental.pallas import tpu as pltpu
from jax.experimental.pallas import tpu_sc as plsc

NC = 2
NS = 16


def _matmul_body(x_ref, w_ref, o_ref):
    o_ref[...] = jnp.dot(x_ref[...], w_ref[...],
                         preferred_element_type=jnp.float32)


def _matmul(x, W):
    n, d_in = x.shape
    d_out = W.shape[1]
    bm = 2000
    return pl.pallas_call(
        _matmul_body,
        grid=(n // bm,),
        in_specs=[
            pl.BlockSpec((bm, d_in), lambda i: (i, 0)),
            pl.BlockSpec((d_in, d_out), lambda i: (0, 0)),
        ],
        out_specs=pl.BlockSpec((bm, d_out), lambda i: (i, 0)),
        out_shape=jax.ShapeDtypeStruct((n, d_out), jnp.float32),
    )(x, W)


def _combine_body(p_ref, b_ref, o_ref):
    o_ref[...] = jnp.maximum(p_ref[0] + p_ref[1] + b_ref[...], 0.0)


def _combine(partial, b):
    _, n, d = partial.shape
    bm = 2000
    return pl.pallas_call(
        _combine_body,
        grid=(n // bm,),
        in_specs=[
            pl.BlockSpec((NC, bm, d), lambda i: (0, i, 0)),
            pl.BlockSpec((1, d), lambda i: (0, 0)),
        ],
        out_specs=pl.BlockSpec((bm, d), lambda i: (i, 0)),
        out_shape=jax.ShapeDtypeStruct((n, d), jnp.float32),
    )(partial, b.reshape(1, d))


def _make_sc_scatter(n, d, e, chunk, nbuf):
    nw = NC * NS
    edges_per_tile = e // nw
    n_chunks = edges_per_tile // chunk
    n_groups = n_chunks // nbuf
    tail = n_chunks - n_groups * nbuf
    assert n_chunks * chunk == edges_per_tile
    stripe_rows = 1000
    n_stripes = n // stripe_rows
    assert n_stripes * stripe_rows == n and n_stripes <= NS

    mesh = plsc.VectorSubcoreMesh(core_axis_name="c", subcore_axis_name="s")

    scratch = (
        [
            pltpu.VMEM((edges_per_tile,), jnp.int32),
            pltpu.VMEM((edges_per_tile,), jnp.int32),
            pltpu.VMEM_SHARED((n, d), jnp.float32),
        ]
        + [pltpu.VMEM((chunk, d), jnp.float32) for _ in range(nbuf)]
        + [pltpu.SemaphoreType.DMA for _ in range(2 * nbuf)]
    )

    @functools.partial(
        pl.kernel,
        out_type=jax.ShapeDtypeStruct((NC, n, d), jnp.float32),
        mesh=mesh,
        scratch_types=scratch,
    )
    def sc_scatter(support_hbm, adj_hbm, zeros_hbm, out_hbm,
                   src_v, dst_v, acc_sh, *bufs):
        rows = bufs[:nbuf]
        gsem = bufs[nbuf:2 * nbuf]
        ssem = bufs[2 * nbuf:]
        cid = lax.axis_index("c")
        sid = lax.axis_index("s")
        wid = cid * NS + sid
        stripe = pl.ds(sid * stripe_rows, stripe_rows)

        e0 = wid * edges_per_tile
        c_src = pltpu.async_copy(
            adj_hbm.at[pl.ds(e0, edges_per_tile)], src_v, gsem[0])
        c_dst = pltpu.async_copy(
            adj_hbm.at[pl.ds(e + e0, edges_per_tile)], dst_v, gsem[1])

        @pl.when(sid < n_stripes)
        def _():
            pltpu.async_copy(zeros_hbm, acc_sh.at[stripe], gsem[2]).wait()

        c_src.wait()
        c_dst.wait()
        plsc.subcore_barrier()

        def src_ix(c):
            return src_v.at[pl.ds(c * chunk, chunk)]

        def dst_ix(c):
            return dst_v.at[pl.ds(c * chunk, chunk)]

        @pl.loop(0, n_groups)
        def _(g):
            gathers = []
            for b in range(nbuf):
                c = g * nbuf + b

                @pl.when(g > 0)
                def _(b=b, c=c):
                    pltpu.make_async_copy(
                        rows[b], acc_sh.at[dst_ix(c - nbuf)], ssem[b]
                    ).wait()

                gathers.append(pltpu.async_copy(
                    support_hbm.at[src_ix(c)], rows[b], gsem[b]))
            for b in range(nbuf):
                c = g * nbuf + b
                gathers[b].wait()
                pltpu.async_copy(
                    rows[b], acc_sh.at[dst_ix(c)], ssem[b], add=True)

        tail_gathers = []
        for t in range(tail):
            c = n_groups * nbuf + t
            pltpu.make_async_copy(
                rows[t], acc_sh.at[dst_ix(c - nbuf)], ssem[t]).wait()
            tail_gathers.append(pltpu.async_copy(
                support_hbm.at[src_ix(c)], rows[t], gsem[t]))
        for t in range(tail):
            c = n_groups * nbuf + t
            tail_gathers[t].wait()
            pltpu.async_copy(
                rows[t], acc_sh.at[dst_ix(c)], ssem[t], add=True)

        for b in range(nbuf):
            c = (n_groups * nbuf + b) if b < tail else (
                (n_groups - 1) * nbuf + b)
            pltpu.make_async_copy(
                rows[b], acc_sh.at[dst_ix(c)], ssem[b]).wait()

        plsc.subcore_barrier()

        @pl.when(sid < n_stripes)
        def _():
            pltpu.sync_copy(acc_sh.at[stripe], out_hbm.at[cid, stripe])

    return sc_scatter


def kernel(x, adj, W, b):
    n, d_in = x.shape
    d = W.shape[1]
    e = adj.shape[1]
    support = _matmul(x, W)
    adj_flat = adj.reshape(2 * e)
    zeros = jnp.zeros((1000, d), jnp.float32)
    sc_scatter = _make_sc_scatter(n, d, e, chunk=40, nbuf=6)
    partial = sc_scatter(support, adj_flat, zeros)
    return _combine(partial, b)

# --- scband reference (transcript-rebuilt; emitter-appended) ---
"""Pipeline reference for scband-graph-convolution-67396626808861 (READ-ONLY COPY).

The authoritative reference and input builder live on the scoring server;
editing this copy changes nothing except your own understanding.
"""

import jax, jax.numpy as jnp
import numpy as np

N = 10000
E = 320000
D_IN = 128
D_OUT = 128


def setup_inputs(seed: int = 0) -> dict:
    key = jax.random.key(seed)
    k1, k2, k3, k4 = jax.random.split(key, 4)
    x = jax.random.normal(k1, (N, D_IN), dtype=jnp.float32)
    # adj is a sparse N x N adjacency matrix; we represent it in COO form as
    # edge_index[2, E] with implicit values of 1.0 (unweighted undirected graph conv).
    adj = jax.random.randint(k2, (2, E), 0, N, dtype=jnp.int32)
    init_range = float(np.sqrt(6.0 / (D_IN + D_OUT)))
    W = jax.random.uniform(k3, (D_IN, D_OUT), minval=-init_range, maxval=init_range, dtype=jnp.float32)
    b = jax.random.uniform(k4, (D_OUT,), minval=-init_range, maxval=init_range, dtype=jnp.float32)
    return {"x": x, "adj": adj, "W": W, "b": b}


def reference(x, adj, W, b):
    # dropout p=0.0 in eval -> identity
    support = x @ W                      # [N, D_OUT] dense matmul
    src = adj[0]
    dst = adj[1]
    # torch.sparse.mm(adj, support): gather rows by src, scatter-add into dst rows
    gathered = jnp.take(support, src, axis=0)          # [E, D_OUT] gather
    out = jnp.zeros((x.shape[0], W.shape[1]), dtype=x.dtype).at[dst].add(gathered)  # scatter-add
    out = out + b
    return jax.nn.relu(out)

if __name__ == "__main__":
    import jax
    _d = setup_inputs()
    print(jax.jit(kernel)(*tuple(_d.values())))

</pallas_src>

<mosaic_0001>
#map = affine_map<(d0, d1) -> (0, 0)>
#map1 = affine_map<(d0, d1) -> (0)>
#map2 = affine_map<(d0, d1) -> (0, 0, 0)>
module attributes {stable_mosaic.version = 14 : i64} {
  func.func @sc_scatter(%arg0: i32, %arg1: i32, %arg2: memref<10000x128xf32, #tpu.memory_space<hbm>>, %arg3: memref<640000xi32, #tpu.memory_space<hbm>>, %arg4: memref<1000x128xf32, #tpu.memory_space<hbm>>, %arg5: memref<2x10000x128xf32, #tpu.memory_space<hbm>>, %arg6: memref<10000xi32, #tpu.memory_space<vmem>>, %arg7: memref<10000xi32, #tpu.memory_space<vmem>>, %arg8: memref<10000x128xf32, #tpu.memory_space<vmem_shared>>, %arg9: memref<40x128xf32, #tpu.memory_space<vmem>>, %arg10: memref<40x128xf32, #tpu.memory_space<vmem>>, %arg11: memref<40x128xf32, #tpu.memory_space<vmem>>, %arg12: memref<40x128xf32, #tpu.memory_space<vmem>>, %arg13: memref<40x128xf32, #tpu.memory_space<vmem>>, %arg14: memref<40x128xf32, #tpu.memory_space<vmem>>, %arg15: memref<!tpu.dma_semaphore, #tpu.memory_space<semaphore_mem>>, %arg16: memref<!tpu.dma_semaphore, #tpu.memory_space<semaphore_mem>>, %arg17: memref<!tpu.dma_semaphore, #tpu.memory_space<semaphore_mem>>, %arg18: memref<!tpu.dma_semaphore, #tpu.memory_space<semaphore_mem>>, %arg19: memref<!tpu.dma_semaphore, #tpu.memory_space<semaphore_mem>>, %arg20: memref<!tpu.dma_semaphore, #tpu.memory_space<semaphore_mem>>, %arg21: memref<!tpu.dma_semaphore, #tpu.memory_space<semaphore_mem>>, %arg22: memref<!tpu.dma_semaphore, #tpu.memory_space<semaphore_mem>>, %arg23: memref<!tpu.dma_semaphore, #tpu.memory_space<semaphore_mem>>, %arg24: memref<!tpu.dma_semaphore, #tpu.memory_space<semaphore_mem>>, %arg25: memref<!tpu.dma_semaphore, #tpu.memory_space<semaphore_mem>>, %arg26: memref<!tpu.dma_semaphore, #tpu.memory_space<semaphore_mem>>) attributes {dimension_semantics = [#tpu.dimension_semantics<core_parallel>, #tpu.dimension_semantics<subcore_parallel>], iteration_bounds = array<i64: 2, 16>, scalar_prefetch = 0 : i64, scratch_operands = 21 : i64, tpu.core_type = #tpu.core_type<sc_vector_subcore>, window_params = [{transform_indices = #map}, {transform_indices = #map1}, {transform_indices = #map}, {transform_indices = #map2}]} {
    %mul3A = arith.constant 16 : i32
    %mul3A_0 = arith.muli %arg0, %mul3A : i32
    %add3A = arith.addi %mul3A_0, %arg1 : i32
    %mul3A_1 = arith.constant 1000 : i32
    %mul3A_2 = arith.muli %arg1, %mul3A_1 : i32
    %mul3A_3 = arith.constant 10000 : i32
    %mul3A_4 = arith.muli %add3A, %mul3A_3 : i32
    %dma_start3A = tpu.memref_slice %arg3[%mul3A_4] : memref<640000xi32, #tpu.memory_space<hbm>> -> memref<10000xi32, #tpu.memory_space<hbm>>
    %dma_start3A_5 = tpu.memref_slice %arg3[%mul3A_4] : memref<640000xi32, #tpu.memory_space<hbm>> -> memref<10000xi32, #tpu.memory_space<hbm>>
    tpu.enqueue_dma source(%dma_start3A_5 : memref<10000xi32, #tpu.memory_space<hbm>>) target(%arg6 : memref<10000xi32, #tpu.memory_space<vmem>>) target_semaphore(%arg15 : memref<!tpu.dma_semaphore, #tpu.memory_space<semaphore_mem>>)
    %add3A_6 = arith.constant 320000 : i32
    %add3A_7 = arith.addi %add3A_6, %mul3A_4 : i32
    %dma_start3A_8 = tpu.memref_slice %arg3[%add3A_7] : memref<640000xi32, #tpu.memory_space<hbm>> -> memref<10000xi32, #tpu.memory_space<hbm>>
    %dma_start3A_9 = tpu.memref_slice %arg3[%add3A_7] : memref<640000xi32, #tpu.memory_space<hbm>> -> memref<10000xi32, #tpu.memory_space<hbm>>
    tpu.enqueue_dma source(%dma_start3A_9 : memref<10000xi32, #tpu.memory_space<hbm>>) target(%arg7 : memref<10000xi32, #tpu.memory_space<vmem>>) target_semaphore(%arg16 : memref<!tpu.dma_semaphore, #tpu.memory_space<semaphore_mem>>)
    %lt3A = arith.constant 10 : i32
    %lt3A_10 = arith.cmpi slt, %arg1, %lt3A : i32
    %convert_element_type3A = arith.extui %lt3A_10 : i1 to i32
    %cond3A = arith.constant 0 : i32
    %cond3A_11 = arith.cmpi ne, %convert_element_type3A, %cond3A : i32
    scf.if %cond3A_11 {
      %dma_start3A_135 = arith.constant 0 : i32
      %dma_start3A_136 = tpu.memref_slice %arg8[%mul3A_2, %dma_start3A_135] : memref<10000x128xf32, #tpu.memory_space<vmem_shared>> -> memref<1000x128xf32, #tpu.memory_space<vmem_shared>>
      tpu.enqueue_dma source(%arg4 : memref<1000x128xf32, #tpu.memory_space<hbm>>) target(%dma_start3A_136 : memref<1000x128xf32, #tpu.memory_space<vmem_shared>>) target_semaphore(%arg17 : memref<!tpu.dma_semaphore, #tpu.memory_space<semaphore_mem>>)
      %dma_wait3A_137 = arith.constant 0 : i32
      %dma_wait3A_138 = tpu.memref_slice %arg8[%mul3A_2, %dma_wait3A_137] : memref<10000x128xf32, #tpu.memory_space<vmem_shared>> -> memref<1000x128xf32, #tpu.memory_space<vmem_shared>>
      tpu.wait_dma2 semaphore(%arg17 : memref<!tpu.dma_semaphore, #tpu.memory_space<semaphore_mem>>) src(%arg4 : memref<1000x128xf32, #tpu.memory_space<hbm>>) dst(%dma_wait3A_138 : memref<1000x128xf32, #tpu.memory_space<vmem_shared>>)
    } else {
    }
    %dma_wait3A = tpu.memref_slice %arg3[%mul3A_4] : memref<640000xi32, #tpu.memory_space<hbm>> -> memref<10000xi32, #tpu.memory_space<hbm>>
    %dma_wait3A_12 = tpu.memref_slice %arg3[%mul3A_4] : memref<640000xi32, #tpu.memory_space<hbm>> -> memref<10000xi32, #tpu.memory_space<hbm>>
    tpu.wait_dma2 semaphore(%arg15 : memref<!tpu.dma_semaphore, #tpu.memory_space<semaphore_mem>>) src(%dma_wait3A_12 : memref<10000xi32, #tpu.memory_space<hbm>>) dst(%arg6 : memref<10000xi32, #tpu.memory_space<vmem>>)
    %dma_wait3A_13 = tpu.memref_slice %arg3[%add3A_7] : memref<640000xi32, #tpu.memory_space<hbm>> -> memref<10000xi32, #tpu.memory_space<hbm>>
    %dma_wait3A_14 = tpu.memref_slice %arg3[%add3A_7] : memref<640000xi32, #tpu.memory_space<hbm>> -> memref<10000xi32, #tpu.memory_space<hbm>>
    tpu.wait_dma2 semaphore(%arg16 : memref<!tpu.dma_semaphore, #tpu.memory_space<semaphore_mem>>) src(%dma_wait3A_14 : memref<10000xi32, #tpu.memory_space<hbm>>) dst(%arg7 : memref<10000xi32, #tpu.memory_space<vmem>>)
    %barrier3A = arith.constant 0 : index
    tpu.barrier barrier_id(%barrier3A)
    %scan3A = arith.constant 0 : i32
    %scan3A_15 = arith.constant 41 : i32
    %scan3A_16 = arith.addi %scan3A, %scan3A_15 : i32
    %scan3A_17 = arith.constant 1 : i32
    scf.for %scan3A_135 = %scan3A to %scan3A_16 step %scan3A_17  : i32 {
      %mul3A_136 = arith.constant 1 : i32
      %mul3A_137 = arith.muli %scan3A_135, %mul3A_136 : i32
      %add3A_138 = arith.constant 0 : i32
      %add3A_139 = arith.addi %add3A_138, %mul3A_137 : i32
      %mul3A_140 = arith.constant 6 : i32
      %mul3A_141 = arith.muli %add3A_139, %mul3A_140 : i32
      %add3A_142 = arith.constant 0 : i32
      %add3A_143 = arith.addi %mul3A_141, %add3A_142 : i32
      %gt3A = arith.constant 0 : i32
      %gt3A_144 = arith.cmpi sgt, %add3A_139, %gt3A : i32
      %convert_element_type3A_145 = arith.extui %gt3A_144 : i1 to i32
      %cond3A_146 = arith.constant 0 : i32
      %cond3A_147 = arith.cmpi ne, %convert_element_type3A_145, %cond3A_146 : i32
      scf.if %cond3A_147 {
        %sub3A = arith.constant 6 : i32
        %sub3A_313 = arith.subi %add3A_143, %sub3A : i32
        %mul3A_314 = arith.constant 40 : i32
        %mul3A_315 = arith.muli %sub3A_313, %mul3A_314 : i32
        %dma_wait3A_316 = tpu.memref_slice %arg7[%mul3A_315] : memref<10000xi32, #tpu.memory_space<vmem>> -> memref<40xi32, #tpu.memory_space<vmem>>
        %dma_wait3A_317 = arith.constant 0 : i32
        %dma_wait3A_318 = arith.constant 0 : i32
        %dma_wait3A_319 = tpu.memref_slice %arg8[%dma_wait3A_317, %dma_wait3A_318] : memref<10000x128xf32, #tpu.memory_space<vmem_shared>> -> memref<10000x128xf32, #tpu.memory_space<vmem_shared>>
        tpu.wait_indirect_dma semaphore(%arg21 : memref<!tpu.dma_semaphore, #tpu.memory_space<semaphore_mem>>) src(%arg9 : memref<40x128xf32, #tpu.memory_space<vmem>>) dst(%dma_wait3A_319 : memref<10000x128xf32, #tpu.memory_space<vmem_shared>>)
      } else {
      }
      %mul3A_148 = arith.constant 40 : i32
      %mul3A_149 = arith.muli %add3A_143, %mul3A_148 : i32
      %dma_start3A_150 = tpu.memref_slice %arg6[%mul3A_149] : memref<10000xi32, #tpu.memory_space<vmem>> -> memref<40xi32, #tpu.memory_space<vmem>>
      %dma_start3A_151 = arith.constant 0 : i32
      %dma_start3A_152 = arith.constant 0 : i32
      %dma_start3A_153 = tpu.memref_slice %arg2[%dma_start3A_151, %dma_start3A_152] : memref<10000x128xf32, #tpu.memory_space<hbm>> -> memref<10000x128xf32, #tpu.memory_space<hbm>>
      tpu.enqueue_indirect_dma source(%dma_start3A_153 : memref<10000x128xf32, #tpu.memory_space<hbm>>) target(%arg9 : memref<40x128xf32, #tpu.memory_space<vmem>>) offsets(%dma_start3A_150 : memref<40xi32, #tpu.memory_space<vmem>>) semaphore(%arg15 : memref<!tpu.dma_semaphore, #tpu.memory_space<semaphore_mem>>)
      %mul3A_154 = arith.constant 6 : i32
      %mul3A_155 = arith.muli %add3A_139, %mul3A_154 : i32
      %add3A_156 = arith.constant 1 : i32
      %add3A_157 = arith.addi %mul3A_155, %add3A_156 : i32
      %gt3A_158 = arith.constant 0 : i32
      %gt3A_159 = arith.cmpi sgt, %add3A_139, %gt3A_158 : i32
      %convert_element_type3A_160 = arith.extui %gt3A_159 : i1 to i32
      %cond3A_161 = arith.constant 0 : i32
      %cond3A_162 = arith.cmpi ne, %convert_element_type3A_160, %cond3A_161 : i32
      scf.if %cond3A_162 {
        %sub3A = arith.constant 6 : i32
        %sub3A_313 = arith.subi %add3A_157, %sub3A : i32
        %mul3A_314 = arith.constant 40 : i32
        %mul3A_315 = arith.muli %sub3A_313, %mul3A_314 : i32
        %dma_wait3A_316 = tpu.memref_slice %arg7[%mul3A_315] : memref<10000xi32, #tpu.memory_space<vmem>> -> memref<40xi32, #tpu.memory_space<vmem>>
        %dma_wait3A_317 = arith.constant 0 : i32
        %dma_wait3A_318 = arith.constant 0 : i32
        %dma_wait3A_319 = tpu.memref_slice %arg8[%dma_wait3A_317, %dma_wait3A_318] : memref<10000x128xf32, #tpu.memory_space<vmem_shared>> -> memref<10000x128xf32, #tpu.memory_space<vmem_shared>>
        tpu.wait_indirect_dma semaphore(%arg22 : memref<!tpu.dma_semaphore, #tpu.memory_space<semaphore_mem>>) src(%arg10 : memref<40x128xf32, #tpu.memory_space<vmem>>) dst(%dma_wait3A_319 : memref<10000x128xf32, #tpu.memory_space<vmem_shared>>)
      } else {
      }
      %mul3A_163 = arith.constant 40 : i32
      %mul3A_164 = arith.muli %add3A_157, %mul3A_163 : i32
      %dma_start3A_165 = tpu.memref_slice %arg6[%mul3A_164] : memref<10000xi32, #tpu.memory_space<vmem>> -> memref<40xi32, #tpu.memory_space<vmem>>
      %dma_start3A_166 = arith.constant 0 : i32
      %dma_start3A_167 = arith.constant 0 : i32
      %dma_start3A_168 = tpu.memref_slice %arg2[%dma_start3A_166, %dma_start3A_167] : memref<10000x128xf32, #tpu.memory_space<hbm>> -> memref<10000x128xf32, #tpu.memory_space<hbm>>
      tpu.enqueue_indirect_dma source(%dma_start3A_168 : memref<10000x128xf32, #tpu.memory_space<hbm>>) target(%arg10 : memref<40x128xf32, #tpu.memory_space<vmem>>) offsets(%dma_start3A_165 : memref<40xi32, #tpu.memory_space<vmem>>) semaphore(%arg16 : memref<!tpu.dma_semaphore, #tpu.memory_space<semaphore_mem>>)
      %mul3A_169 = arith.constant 6 : i32
      %mul3A_170 = arith.muli %add3A_139, %mul3A_169 : i32
      %add3A_171 = arith.constant 2 : i32
      %add3A_172 = arith.addi %mul3A_170, %add3A_171 : i32
      %gt3A_173 = arith.constant 0 : i32
      %gt3A_174 = arith.cmpi sgt, %add3A_139, %gt3A_173 : i32
      %convert_element_type3A_175 = arith.extui %gt3A_174 : i1 to i32
      %cond3A_176 = arith.constant 0 : i32
      %cond3A_177 = arith.cmpi ne, %convert_element_type3A_175, %cond3A_176 : i32
      scf.if %cond3A_177 {
        %sub3A = arith.constant 6 : i32
        %sub3A_313 = arith.subi %add3A_172, %sub3A : i32
        %mul3A_314 = arith.constant 40 : i32
        %mul3A_315 = arith.muli %sub3A_313, %mul3A_314 : i32
        %dma_wait3A_316 = tpu.memref_slice %arg7[%mul3A_315] : memref<10000xi32, #tpu.memory_space<vmem>> -> memref<40xi32, #tpu.memory_space<vmem>>
        %dma_wait3A_317 = arith.constant 0 : i32
        %dma_wait3A_318 = arith.constant 0 : i32
        %dma_wait3A_319 = tpu.memref_slice %arg8[%dma_wait3A_317, %dma_wait3A_318] : memref<10000x128xf32, #tpu.memory_space<vmem_shared>> -> memref<10000x128xf32, #tpu.memory_space<vmem_shared>>
        tpu.wait_indirect_dma semaphore(%arg23 : memref<!tpu.dma_semaphore, #tpu.memory_space<semaphore_mem>>) src(%arg11 : memref<40x128xf32, #tpu.memory_space<vmem>>) dst(%dma_wait3A_319 : memref<10000x128xf32, #tpu.memory_space<vmem_shared>>)
      } else {
      }
      %mul3A_178 = arith.constant 40 : i32
      %mul3A_179 = arith.muli %add3A_172, %mul3A_178 : i32
      %dma_start3A_180 = tpu.memref_slice %arg6[%mul3A_179] : memref<10000xi32, #tpu.memory_space<vmem>> -> memref<40xi32, #tpu.memory_space<vmem>>
      %dma_start3A_181 = arith.constant 0 : i32
      %dma_start3A_182 = arith.constant 0 : i32
      %dma_start3A_183 = tpu.memref_slice %arg2[%dma_start3A_181, %dma_start3A_182] : memref<10000x128xf32, #tpu.memory_space<hbm>> -> memref<10000x128xf32, #tpu.memory_space<hbm>>
      tpu.enqueue_indirect_dma source(%dma_start3A_183 : memref<10000x128xf32, #tpu.memory_space<hbm>>) target(%arg11 : memref<40x128xf32, #tpu.memory_space<vmem>>) offsets(%dma_start3A_180 : memref<40xi32, #tpu.memory_space<vmem>>) semaphore(%arg17 : memref<!tpu.dma_semaphore, #tpu.memory_space<semaphore_mem>>)
      %mul3A_184 = arith.constant 6 : i32
      %mul3A_185 = arith.muli %add3A_139, %mul3A_184 : i32
      %add3A_186 = arith.constant 3 : i32
      %add3A_187 = arith.addi %mul3A_185, %add3A_186 : i32
      %gt3A_188 = arith.constant 0 : i32
      %gt3A_189 = arith.cmpi sgt, %add3A_139, %gt3A_188 : i32
      %convert_element_type3A_190 = arith.extui %gt3A_189 : i1 to i32
      %cond3A_191 = arith.constant 0 : i32
      %cond3A_192 = arith.cmpi ne, %convert_element_type3A_190, %cond3A_191 : i32
      scf.if %cond3A_192 {
        %sub3A = arith.constant 6 : i32
        %sub3A_313 = arith.subi %add3A_187, %sub3A : i32
        %mul3A_314 = arith.constant 40 : i32
        %mul3A_315 = arith.muli %sub3A_313, %mul3A_314 : i32
        %dma_wait3A_316 = tpu.memref_slice %arg7[%mul3A_315] : memref<10000xi32, #tpu.memory_space<vmem>> -> memref<40xi32, #tpu.memory_space<vmem>>
        %dma_wait3A_317 = arith.constant 0 : i32
        %dma_wait3A_318 = arith.constant 0 : i32
        %dma_wait3A_319 = tpu.memref_slice %arg8[%dma_wait3A_317, %dma_wait3A_318] : memref<10000x128xf32, #tpu.memory_space<vmem_shared>> -> memref<10000x128xf32, #tpu.memory_space<vmem_shared>>
        tpu.wait_indirect_dma semaphore(%arg24 : memref<!tpu.dma_semaphore, #tpu.memory_space<semaphore_mem>>) src(%arg12 : memref<40x128xf32, #tpu.memory_space<vmem>>) dst(%dma_wait3A_319 : memref<10000x128xf32, #tpu.memory_space<vmem_shared>>)
      } else {
      }
      %mul3A_193 = arith.constant 40 : i32
      %mul3A_194 = arith.muli %add3A_187, %mul3A_193 : i32
      %dma_start3A_195 = tpu.memref_slice %arg6[%mul3A_194] : memref<10000xi32, #tpu.memory_space<vmem>> -> memref<40xi32, #tpu.memory_space<vmem>>
      %dma_start3A_196 = arith.constant 0 : i32
      %dma_start3A_197 = arith.constant 0 : i32
      %dma_start3A_198 = tpu.memref_slice %arg2[%dma_start3A_196, %dma_start3A_197] : memref<10000x128xf32, #tpu.memory_space<hbm>> -> memref<10000x128xf32, #tpu.memory_space<hbm>>
      tpu.enqueue_indirect_dma source(%dma_start3A_198 : memref<10000x128xf32, #tpu.memory_space<hbm>>) target(%arg12 : memref<40x128xf32, #tpu.memory_space<vmem>>) offsets(%dma_start3A_195 : memref<40xi32, #tpu.memory_space<vmem>>) semaphore(%arg18 : memref<!tpu.dma_semaphore, #tpu.memory_space<semaphore_mem>>)
      %mul3A_199 = arith.constant 6 : i32
      %mul3A_200 = arith.muli %add3A_139, %mul3A_199 : i32
      %add3A_201 = arith.constant 4 : i32
      %add3A_202 = arith.addi %mul3A_200, %add3A_201 : i32
      %gt3A_203 = arith.constant 0 : i32
      %gt3A_204 = arith.cmpi sgt, %add3A_139, %gt3A_203 : i32
      %convert_element_type3A_205 = arith.extui %gt3A_204 : i1 to i32
      %cond3A_206 = arith.constant 0 : i32
      %cond3A_207 = arith.cmpi ne, %convert_element_type3A_205, %cond3A_206 : i32
      scf.if %cond3A_207 {
        %sub3A = arith.constant 6 : i32
        %sub3A_313 = arith.subi %add3A_202, %sub3A : i32
        %mul3A_314 = arith.constant 40 : i32
        %mul3A_315 = arith.muli %sub3A_313, %mul3A_314 : i32
        %dma_wait3A_316 = tpu.memref_slice %arg7[%mul3A_315] : memref<10000xi32, #tpu.memory_space<vmem>> -> memref<40xi32, #tpu.memory_space<vmem>>
        %dma_wait3A_317 = arith.constant 0 : i32
        %dma_wait3A_318 = arith.constant 0 : i32
        %dma_wait3A_319 = tpu.memref_slice %arg8[%dma_wait3A_317, %dma_wait3A_318] : memref<10000x128xf32, #tpu.memory_space<vmem_shared>> -> memref<10000x128xf32, #tpu.memory_space<vmem_shared>>
        tpu.wait_indirect_dma semaphore(%arg25 : memref<!tpu.dma_semaphore, #tpu.memory_space<semaphore_mem>>) src(%arg13 : memref<40x128xf32, #tpu.memory_space<vmem>>) dst(%dma_wait3A_319 : memref<10000x128xf32, #tpu.memory_space<vmem_shared>>)
      } else {
      }
      %mul3A_208 = arith.constant 40 : i32
      %mul3A_209 = arith.muli %add3A_202, %mul3A_208 : i32
      %dma_start3A_210 = tpu.memref_slice %arg6[%mul3A_209] : memref<10000xi32, #tpu.memory_space<vmem>> -> memref<40xi32, #tpu.memory_space<vmem>>
      %dma_start3A_211 = arith.constant 0 : i32
      %dma_start3A_212 = arith.constant 0 : i32
      %dma_start3A_213 = tpu.memref_slice %arg2[%dma_start3A_211, %dma_start3A_212] : memref<10000x128xf32, #tpu.memory_space<hbm>> -> memref<10000x128xf32, #tpu.memory_space<hbm>>
      tpu.enqueue_indirect_dma source(%dma_start3A_213 : memref<10000x128xf32, #tpu.memory_space<hbm>>) target(%arg13 : memref<40x128xf32, #tpu.memory_space<vmem>>) offsets(%dma_start3A_210 : memref<40xi32, #tpu.memory_space<vmem>>) semaphore(%arg19 : memref<!tpu.dma_semaphore, #tpu.memory_space<semaphore_mem>>)
      %mul3A_214 = arith.constant 6 : i32
      %mul3A_215 = arith.muli %add3A_139, %mul3A_214 : i32
      %add3A_216 = arith.constant 5 : i32
      %add3A_217 = arith.addi %mul3A_215, %add3A_216 : i32
      %gt3A_218 = arith.constant 0 : i32
      %gt3A_219 = arith.cmpi sgt, %add3A_139, %gt3A_218 : i32
      %convert_element_type3A_220 = arith.extui %gt3A_219 : i1 to i32
      %cond3A_221 = arith.constant 0 : i32
      %cond3A_222 = arith.cmpi ne, %convert_element_type3A_220, %cond3A_221 : i32
      scf.if %cond3A_222 {
        %sub3A = arith.constant 6 : i32
        %sub3A_313 = arith.subi %add3A_217, %sub3A : i32
        %mul3A_314 = arith.constant 40 : i32
        %mul3A_315 = arith.muli %sub3A_313, %mul3A_314 : i32
        %dma_wait3A_316 = tpu.memref_slice %arg7[%mul3A_315] : memref<10000xi32, #tpu.memory_space<vmem>> -> memref<40xi32, #tpu.memory_space<vmem>>
        %dma_wait3A_317 = arith.constant 0 : i32
        %dma_wait3A_318 = arith.constant 0 : i32
        %dma_wait3A_319 = tpu.memref_slice %arg8[%dma_wait3A_317, %dma_wait3A_318] : memref<10000x128xf32, #tpu.memory_space<vmem_shared>> -> memref<10000x128xf32, #tpu.memory_space<vmem_shared>>
        tpu.wait_indirect_dma semaphore(%arg26 : memref<!tpu.dma_semaphore, #tpu.memory_space<semaphore_mem>>) src(%arg14 : memref<40x128xf32, #tpu.memory_space<vmem>>) dst(%dma_wait3A_319 : memref<10000x128xf32, #tpu.memory_space<vmem_shared>>)
      } else {
      }
      %mul3A_223 = arith.constant 40 : i32
      %mul3A_224 = arith.muli %add3A_217, %mul3A_223 : i32
      %dma_start3A_225 = tpu.memref_slice %arg6[%mul3A_224] : memref<10000xi32, #tpu.memory_space<vmem>> -> memref<40xi32, #tpu.memory_space<vmem>>
      %dma_start3A_226 = arith.constant 0 : i32
      %dma_start3A_227 = arith.constant 0 : i32
      %dma_start3A_228 = tpu.memref_slice %arg2[%dma_start3A_226, %dma_start3A_227] : memref<10000x128xf32, #tpu.memory_space<hbm>> -> memref<10000x128xf32, #tpu.memory_space<hbm>>
      tpu.enqueue_indirect_dma source(%dma_start3A_228 : memref<10000x128xf32, #tpu.memory_space<hbm>>) target(%arg14 : memref<40x128xf32, #tpu.memory_space<vmem>>) offsets(%dma_start3A_225 : memref<40xi32, #tpu.memory_space<vmem>>) semaphore(%arg20 : memref<!tpu.dma_semaphore, #tpu.memory_space<semaphore_mem>>)
      %mul3A_229 = arith.constant 6 : i32
      %mul3A_230 = arith.muli %add3A_139, %mul3A_229 : i32
      %add3A_231 = arith.constant 0 : i32
      %add3A_232 = arith.addi %mul3A_230, %add3A_231 : i32
      %dma_wait3A_233 = tpu.memref_slice %arg6[%mul3A_149] : memref<10000xi32, #tpu.memory_space<vmem>> -> memref<40xi32, #tpu.memory_space<vmem>>
      %dma_wait3A_234 = arith.constant 0 : i32
      %dma_wait3A_235 = arith.constant 0 : i32
      %dma_wait3A_236 = tpu.memref_slice %arg2[%dma_wait3A_234, %dma_wait3A_235] : memref<10000x128xf32, #tpu.memory_space<hbm>> -> memref<10000x128xf32, #tpu.memory_space<hbm>>
      tpu.wait_indirect_dma semaphore(%arg15 : memref<!tpu.dma_semaphore, #tpu.memory_space<semaphore_mem>>) src(%dma_wait3A_236 : memref<10000x128xf32, #tpu.memory_space<hbm>>) dst(%arg9 : memref<40x128xf32, #tpu.memory_space<vmem>>)
      %mul3A_237 = arith.constant 40 : i32
      %mul3A_238 = arith.muli %add3A_232, %mul3A_237 : i32
      %dma_start3A_239 = tpu.memref_slice %arg7[%mul3A_238] : memref<10000xi32, #tpu.memory_space<vmem>> -> memref<40xi32, #tpu.memory_space<vmem>>
      %dma_start3A_240 = arith.constant 0 : i32
      %dma_start3A_241 = arith.constant 0 : i32
      %dma_start3A_242 = tpu.memref_slice %arg8[%dma_start3A_240, %dma_start3A_241] : memref<10000x128xf32, #tpu.memory_space<vmem_shared>> -> memref<10000x128xf32, #tpu.memory_space<vmem_shared>>
      tpu.enqueue_indirect_dma source(%arg9 : memref<40x128xf32, #tpu.memory_space<vmem>>) target(%dma_start3A_242 : memref<10000x128xf32, #tpu.memory_space<vmem_shared>>) offsets(%dma_start3A_239 : memref<40xi32, #tpu.memory_space<vmem>>) semaphore(%arg21 : memref<!tpu.dma_semaphore, #tpu.memory_space<semaphore_mem>>) {add = true}
      %mul3A_243 = arith.constant 6 : i32
      %mul3A_244 = arith.muli %add3A_139, %mul3A_243 : i32
      %add3A_245 = arith.constant 1 : i32
      %add3A_246 = arith.addi %mul3A_244, %add3A_245 : i32
      %dma_wait3A_247 = tpu.memref_slice %arg6[%mul3A_164] : memref<10000xi32, #tpu.memory_space<vmem>> -> memref<40xi32, #tpu.memory_space<vmem>>
      %dma_wait3A_248 = arith.constant 0 : i32
      %dma_wait3A_249 = arith.constant 0 : i32
      %dma_wait3A_250 = tpu.memref_slice %arg2[%dma_wait3A_248, %dma_wait3A_249] : memref<10000x128xf32, #tpu.memory_space<hbm>> -> memref<10000x128xf32, #tpu.memory_space<hbm>>
      tpu.wait_indirect_dma semaphore(%arg16 : memref<!tpu.dma_semaphore, #tpu.memory_space<semaphore_mem>>) src(%dma_wait3A_250 : memref<10000x128xf32, #tpu.memory_space<hbm>>) dst(%arg10 : memref<40x128xf32, #tpu.memory_space<vmem>>)
      %mul3A_251 = arith.constant 40 : i32
      %mul3A_252 = arith.muli %add3A_246, %mul3A_251 : i32
      %dma_start3A_253 = tpu.memref_slice %arg7[%mul3A_252] : memref<10000xi32, #tpu.memory_space<vmem>> -> memref<40xi32, #tpu.memory_space<vmem>>
      %dma_start3A_254 = arith.constant 0 : i32
      %dma_start3A_255 = arith.constant 0 : i32
      %dma_start3A_256 = tpu.memref_slice %arg8[%dma_start3A_254, %dma_start3A_255] : memref<10000x128xf32, #tpu.memory_space<vmem_shared>> -> memref<10000x128xf32, #tpu.memory_space<vmem_shared>>
      tpu.enqueue_indirect_dma source(%arg10 : memref<40x128xf32, #tpu.memory_space<vmem>>) target(%dma_start3A_256 : memref<10000x128xf32, #tpu.memory_space<vmem_shared>>) offsets(%dma_start3A_253 : memref<40xi32, #tpu.memory_space<vmem>>) semaphore(%arg22 : memref<!tpu.dma_semaphore, #tpu.memory_space<semaphore_mem>>) {add = true}
      %mul3A_257 = arith.constant 6 : i32
      %mul3A_258 = arith.muli %add3A_139, %mul3A_257 : i32
      %add3A_259 = arith.constant 2 : i32
      %add3A_260 = arith.addi %mul3A_258, %add3A_259 : i32
      %dma_wait3A_261 = tpu.memref_slice %arg6[%mul3A_179] : memref<10000xi32, #tpu.memory_space<vmem>> -> memref<40xi32, #tpu.memory_space<vmem>>
      %dma_wait3A_262 = arith.constant 0 : i32
      %dma_wait3A_263 = arith.constant 0 : i32
      %dma_wait3A_264 = tpu.memref_slice %arg2[%dma_wait3A_262, %dma_wait3A_263] : memref<10000x128xf32, #tpu.memory_space<hbm>> -> memref<10000x128xf32, #tpu.memory_space<hbm>>
      tpu.wait_indirect_dma semaphore(%arg17 : memref<!tpu.dma_semaphore, #tpu.memory_space<semaphore_mem>>) src(%dma_wait3A_264 : memref<10000x128xf32, #tpu.memory_space<hbm>>) dst(%arg11 : memref<40x128xf32, #tpu.memory_space<vmem>>)
      %mul3A_265 = arith.constant 40 : i32
      %mul3A_266 = arith.muli %add3A_260, %mul3A_265 : i32
      %dma_start3A_267 = tpu.memref_slice %arg7[%mul3A_266] : memref<10000xi32, #tpu.memory_space<vmem>> -> memref<40xi32, #tpu.memory_space<vmem>>
      %dma_start3A_268 = arith.constant 0 : i32
      %dma_start3A_269 = arith.constant 0 : i32
      %dma_start3A_270 = tpu.memref_slice %arg8[%dma_start3A_268, %dma_start3A_269] : memref<10000x128xf32, #tpu.memory_space<vmem_shared>> -> memref<10000x128xf32, #tpu.memory_space<vmem_shared>>
      tpu.enqueue_indirect_dma source(%arg11 : memref<40x128xf32, #tpu.memory_space<vmem>>) target(%dma_start3A_270 : memref<10000x128xf32, #tpu.memory_space<vmem_shared>>) offsets(%dma_start3A_267 : memref<40xi32, #tpu.memory_space<vmem>>) semaphore(%arg23 : memref<!tpu.dma_semaphore, #tpu.memory_space<semaphore_mem>>) {add = true}
      %mul3A_271 = arith.constant 6 : i32
      %mul3A_272 = arith.muli %add3A_139, %mul3A_271 : i32
      %add3A_273 = arith.constant 3 : i32
      %add3A_274 = arith.addi %mul3A_272, %add3A_273 : i32
      %dma_wait3A_275 = tpu.memref_slice %arg6[%mul3A_194] : memref<10000xi32, #tpu.memory_space<vmem>> -> memref<40xi32, #tpu.memory_space<vmem>>
      %dma_wait3A_276 = arith.constant 0 : i32
      %dma_wait3A_277 = arith.constant 0 : i32
      %dma_wait3A_278 = tpu.memref_slice %arg2[%dma_wait3A_276, %dma_wait3A_277] : memref<10000x128xf32, #tpu.memory_space<hbm>> -> memref<10000x128xf32, #tpu.memory_space<hbm>>
      tpu.wait_indirect_dma semaphore(%arg18 : memref<!tpu.dma_semaphore, #tpu.memory_space<semaphore_mem>>) src(%dma_wait3A_278 : memref<10000x128xf32, #tpu.memory_space<hbm>>) dst(%arg12 : memref<40x128xf32, #tpu.memory_space<vmem>>)
      %mul3A_279 = arith.constant 40 : i32
      %mul3A_280 = arith.muli %add3A_274, %mul3A_279 : i32
      %dma_start3A_281 = tpu.memref_slice %arg7[%mul3A_280] : memref<10000xi32, #tpu.memory_space<vmem>> -> memref<40xi32, #tpu.memory_space<vmem>>
      %dma_start3A_282 = arith.constant 0 : i32
      %dma_start3A_283 = arith.constant 0 : i32
      %dma_start3A_284 = tpu.memref_slice %arg8[%dma_start3A_282, %dma_start3A_283] : memref<10000x128xf32, #tpu.memory_space<vmem_shared>> -> memref<10000x128xf32, #tpu.memory_space<vmem_shared>>
      tpu.enqueue_indirect_dma source(%arg12 : memref<40x128xf32, #tpu.memory_space<vmem>>) target(%dma_start3A_284 : memref<10000x128xf32, #tpu.memory_space<vmem_shared>>) offsets(%dma_start3A_281 : memref<40xi32, #tpu.memory_space<vmem>>) semaphore(%arg24 : memref<!tpu.dma_semaphore, #tpu.memory_space<semaphore_mem>>) {add = true}
      %mul3A_285 = arith.constant 6 : i32
      %mul3A_286 = arith.muli %add3A_139, %mul3A_285 : i32
      %add3A_287 = arith.constant 4 : i32
      %add3A_288 = arith.addi %mul3A_286, %add3A_287 : i32
      %dma_wait3A_289 = tpu.memref_slice %arg6[%mul3A_209] : memref<10000xi32, #tpu.memory_space<vmem>> -> memref<40xi32, #tpu.memory_space<vmem>>
      %dma_wait3A_290 = arith.constant 0 : i32
      %dma_wait3A_291 = arith.constant 0 : i32
      %dma_wait3A_292 = tpu.memref_slice %arg2[%dma_wait3A_290, %dma_wait3A_291] : memref<10000x128xf32, #tpu.memory_space<hbm>> -> memref<10000x128xf32, #tpu.memory_space<hbm>>
      tpu.wait_indirect_dma semaphore(%arg19 : memref<!tpu.dma_semaphore, #tpu.memory_space<semaphore_mem>>) src(%dma_wait3A_292 : memref<10000x128xf32, #tpu.memory_space<hbm>>) dst(%arg13 : memref<40x128xf32, #tpu.memory_space<vmem>>)
      %mul3A_293 = arith.constant 40 : i32
      %mul3A_294 = arith.muli %add3A_288, %mul3A_293 : i32
      %dma_start3A_295 = tpu.memref_slice %arg7[%mul3A_294] : memref<10000xi32, #tpu.memory_space<vmem>> -> memref<40xi32, #tpu.memory_space<vmem>>
      %dma_start3A_296 = arith.constant 0 : i32
      %dma_start3A_297 = arith.constant 0 : i32
      %dma_start3A_298 = tpu.memref_slice %arg8[%dma_start3A_296, %dma_start3A_297] : memref<10000x128xf32, #tpu.memory_space<vmem_shared>> -> memref<10000x128xf32, #tpu.memory_space<vmem_shared>>
      tpu.enqueue_indirect_dma source(%arg13 : memref<40x128xf32, #tpu.memory_space<vmem>>) target(%dma_start3A_298 : memref<10000x128xf32, #tpu.memory_space<vmem_shared>>) offsets(%dma_start3A_295 : memref<40xi32, #tpu.memory_space<vmem>>) semaphore(%arg25 : memref<!tpu.dma_semaphore, #tpu.memory_space<semaphore_mem>>) {add = true}
      %mul3A_299 = arith.constant 6 : i32
      %mul3A_300 = arith.muli %add3A_139, %mul3A_299 : i32
      %add3A_301 = arith.constant 5 : i32
      %add3A_302 = arith.addi %mul3A_300, %add3A_301 : i32
      %dma_wait3A_303 = tpu.memref_slice %arg6[%mul3A_224] : memref<10000xi32, #tpu.memory_space<vmem>> -> memref<40xi32, #tpu.memory_space<vmem>>
      %dma_wait3A_304 = arith.constant 0 : i32
      %dma_wait3A_305 = arith.constant 0 : i32
      %dma_wait3A_306 = tpu.memref_slice %arg2[%dma_wait3A_304, %dma_wait3A_305] : memref<10000x128xf32, #tpu.memory_space<hbm>> -> memref<10000x128xf32, #tpu.memory_space<hbm>>
      tpu.wait_indirect_dma semaphore(%arg20 : memref<!tpu.dma_semaphore, #tpu.memory_space<semaphore_mem>>) src(%dma_wait3A_306 : memref<10000x128xf32, #tpu.memory_space<hbm>>) dst(%arg14 : memref<40x128xf32, #tpu.memory_space<vmem>>)
      %mul3A_307 = arith.constant 40 : i32
      %mul3A_308 = arith.muli %add3A_302, %mul3A_307 : i32
      %dma_start3A_309 = tpu.memref_slice %arg7[%mul3A_308] : memref<10000xi32, #tpu.memory_space<vmem>> -> memref<40xi32, #tpu.memory_space<vmem>>
      %dma_start3A_310 = arith.constant 0 : i32
      %dma_start3A_311 = arith.constant 0 : i32
      %dma_start3A_312 = tpu.memref_slice %arg8[%dma_start3A_310, %dma_start3A_311] : memref<10000x128xf32, #tpu.memory_space<vmem_shared>> -> memref<10000x128xf32, #tpu.memory_space<vmem_shared>>
      tpu.enqueue_indirect_dma source(%arg14 : memref<40x128xf32, #tpu.memory_space<vmem>>) target(%dma_start3A_312 : memref<10000x128xf32, #tpu.memory_space<vmem_shared>>) offsets(%dma_start3A_309 : memref<40xi32, #tpu.memory_space<vmem>>) semaphore(%arg26 : memref<!tpu.dma_semaphore, #tpu.memory_space<semaphore_mem>>) {add = true}
    }
    %scan3A_18 = arith.constant 41 : i32
    %dma_wait3A_19 = arith.constant 9600 : i32
    %dma_wait3A_20 = tpu.memref_slice %arg7[%dma_wait3A_19] : memref<10000xi32, #tpu.memory_space<vmem>> -> memref<40xi32, #tpu.memory_space<vmem>>
    %dma_wait3A_21 = arith.constant 0 : i32
    %dma_wait3A_22 = arith.constant 0 : i32
    %dma_wait3A_23 = tpu.memref_slice %arg8[%dma_wait3A_21, %dma_wait3A_22] : memref<10000x128xf32, #tpu.memory_space<vmem_shared>> -> memref<10000x128xf32, #tpu.memory_space<vmem_shared>>
    tpu.wait_indirect_dma semaphore(%arg21 : memref<!tpu.dma_semaphore, #tpu.memory_space<semaphore_mem>>) src(%arg9 : memref<40x128xf32, #tpu.memory_space<vmem>>) dst(%dma_wait3A_23 : memref<10000x128xf32, #tpu.memory_space<vmem_shared>>)
    %dma_start3A_24 = arith.constant 9840 : i32
    %dma_start3A_25 = tpu.memref_slice %arg6[%dma_start3A_24] : memref<10000xi32, #tpu.memory_space<vmem>> -> memref<40xi32, #tpu.memory_space<vmem>>
    %dma_start3A_26 = arith.constant 0 : i32
    %dma_start3A_27 = arith.constant 0 : i32
    %dma_start3A_28 = tpu.memref_slice %arg2[%dma_start3A_26, %dma_start3A_27] : memref<10000x128xf32, #tpu.memory_space<hbm>> -> memref<10000x128xf32, #tpu.memory_space<hbm>>
    tpu.enqueue_indirect_dma source(%dma_start3A_28 : memref<10000x128xf32, #tpu.memory_space<hbm>>) target(%arg9 : memref<40x128xf32, #tpu.memory_space<vmem>>) offsets(%dma_start3A_25 : memref<40xi32, #tpu.memory_space<vmem>>) semaphore(%arg15 : memref<!tpu.dma_semaphore, #tpu.memory_space<semaphore_mem>>)
    %dma_wait3A_29 = arith.constant 9640 : i32
    %dma_wait3A_30 = tpu.memref_slice %arg7[%dma_wait3A_29] : memref<10000xi32, #tpu.memory_space<vmem>> -> memref<40xi32, #tpu.memory_space<vmem>>
    %dma_wait3A_31 = arith.constant 0 : i32
    %dma_wait3A_32 = arith.constant 0 : i32
    %dma_wait3A_33 = tpu.memref_slice %arg8[%dma_wait3A_31, %dma_wait3A_32] : memref<10000x128xf32, #tpu.memory_space<vmem_shared>> -> memref<10000x128xf32, #tpu.memory_space<vmem_shared>>
    tpu.wait_indirect_dma semaphore(%arg22 : memref<!tpu.dma_semaphore, #tpu.memory_space<semaphore_mem>>) src(%arg10 : memref<40x128xf32, #tpu.memory_space<vmem>>) dst(%dma_wait3A_33 : memref<10000x128xf32, #tpu.memory_space<vmem_shared>>)
    %dma_start3A_34 = arith.constant 9880 : i32
    %dma_start3A_35 = tpu.memref_slice %arg6[%dma_start3A_34] : memref<10000xi32, #tpu.memory_space<vmem>> -> memref<40xi32, #tpu.memory_space<vmem>>
    %dma_start3A_36 = arith.constant 0 : i32
    %dma_start3A_37 = arith.constant 0 : i32
    %dma_start3A_38 = tpu.memref_slice %arg2[%dma_start3A_36, %dma_start3A_37] : memref<10000x128xf32, #tpu.memory_space<hbm>> -> memref<10000x128xf32, #tpu.memory_space<hbm>>
    tpu.enqueue_indirect_dma source(%dma_start3A_38 : memref<10000x128xf32, #tpu.memory_space<hbm>>) target(%arg10 : memref<40x128xf32, #tpu.memory_space<vmem>>) offsets(%dma_start3A_35 : memref<40xi32, #tpu.memory_space<vmem>>) semaphore(%arg16 : memref<!tpu.dma_semaphore, #tpu.memory_space<semaphore_mem>>)
    %dma_wait3A_39 = arith.constant 9680 : i32
    %dma_wait3A_40 = tpu.memref_slice %arg7[%dma_wait3A_39] : memref<10000xi32, #tpu.memory_space<vmem>> -> memref<40xi32, #tpu.memory_space<vmem>>
    %dma_wait3A_41 = arith.constant 0 : i32
    %dma_wait3A_42 = arith.constant 0 : i32
    %dma_wait3A_43 = tpu.memref_slice %arg8[%dma_wait3A_41, %dma_wait3A_42] : memref<10000x128xf32, #tpu.memory_space<vmem_shared>> -> memref<10000x128xf32, #tpu.memory_space<vmem_shared>>
    tpu.wait_indirect_dma semaphore(%arg23 : memref<!tpu.dma_semaphore, #tpu.memory_space<semaphore_mem>>) src(%arg11 : memref<40x128xf32, #tpu.memory_space<vmem>>) dst(%dma_wait3A_43 : memref<10000x128xf32, #tpu.memory_space<vmem_shared>>)
    %dma_start3A_44 = arith.constant 9920 : i32
    %dma_start3A_45 = tpu.memref_slice %arg6[%dma_start3A_44] : memref<10000xi32, #tpu.memory_space<vmem>> -> memref<40xi32, #tpu.memory_space<vmem>>
    %dma_start3A_46 = arith.constant 0 : i32
    %dma_start3A_47 = arith.constant 0 : i32
    %dma_start3A_48 = tpu.memref_slice %arg2[%dma_start3A_46, %dma_start3A_47] : memref<10000x128xf32, #tpu.memory_space<hbm>> -> memref<10000x128xf32, #tpu.memory_space<hbm>>
    tpu.enqueue_indirect_dma source(%dma_start3A_48 : memref<10000x128xf32, #tpu.memory_space<hbm>>) target(%arg11 : memref<40x128xf32, #tpu.memory_space<vmem>>) offsets(%dma_start3A_45 : memref<40xi32, #tpu.memory_space<vmem>>) semaphore(%arg17 : memref<!tpu.dma_semaphore, #tpu.memory_space<semaphore_mem>>)
    %dma_wait3A_49 = arith.constant 9720 : i32
    %dma_wait3A_50 = tpu.memref_slice %arg7[%dma_wait3A_49] : memref<10000xi32, #tpu.memory_space<vmem>> -> memref<40xi32, #tpu.memory_space<vmem>>
    %dma_wait3A_51 = arith.constant 0 : i32
    %dma_wait3A_52 = arith.constant 0 : i32
    %dma_wait3A_53 = tpu.memref_slice %arg8[%dma_wait3A_51, %dma_wait3A_52] : memref<10000x128xf32, #tpu.memory_space<vmem_shared>> -> memref<10000x128xf32, #tpu.memory_space<vmem_shared>>
    tpu.wait_indirect_dma semaphore(%arg24 : memref<!tpu.dma_semaphore, #tpu.memory_space<semaphore_mem>>) src(%arg12 : memref<40x128xf32, #tpu.memory_space<vmem>>) dst(%dma_wait3A_53 : memref<10000x128xf32, #tpu.memory_space<vmem_shared>>)
    %dma_start3A_54 = arith.constant 9960 : i32
    %dma_start3A_55 = tpu.memref_slice %arg6[%dma_start3A_54] : memref<10000xi32, #tpu.memory_space<vmem>> -> memref<40xi32, #tpu.memory_space<vmem>>
    %dma_start3A_56 = arith.constant 0 : i32
    %dma_start3A_57 = arith.constant 0 : i32
    %dma_start3A_58 = tpu.memref_slice %arg2[%dma_start3A_56, %dma_start3A_57] : memref<10000x128xf32, #tpu.memory_space<hbm>> -> memref<10000x128xf32, #tpu.memory_space<hbm>>
    tpu.enqueue_indirect_dma source(%dma_start3A_58 : memref<10000x128xf32, #tpu.memory_space<hbm>>) target(%arg12 : memref<40x128xf32, #tpu.memory_space<vmem>>) offsets(%dma_start3A_55 : memref<40xi32, #tpu.memory_space<vmem>>) semaphore(%arg18 : memref<!tpu.dma_semaphore, #tpu.memory_space<semaphore_mem>>)
    %dma_wait3A_59 = arith.constant 9840 : i32
    %dma_wait3A_60 = tpu.memref_slice %arg6[%dma_wait3A_59] : memref<10000xi32, #tpu.memory_space<vmem>> -> memref<40xi32, #tpu.memory_space<vmem>>
    %dma_wait3A_61 = arith.constant 0 : i32
    %dma_wait3A_62 = arith.constant 0 : i32
    %dma_wait3A_63 = tpu.memref_slice %arg2[%dma_wait3A_61, %dma_wait3A_62] : memref<10000x128xf32, #tpu.memory_space<hbm>> -> memref<10000x128xf32, #tpu.memory_space<hbm>>
    tpu.wait_indirect_dma semaphore(%arg15 : memref<!tpu.dma_semaphore, #tpu.memory_space<semaphore_mem>>) src(%dma_wait3A_63 : memref<10000x128xf32, #tpu.memory_space<hbm>>) dst(%arg9 : memref<40x128xf32, #tpu.memory_space<vmem>>)
    %dma_start3A_64 = arith.constant 9840 : i32
    %dma_start3A_65 = tpu.memref_slice %arg7[%dma_start3A_64] : memref<10000xi32, #tpu.memory_space<vmem>> -> memref<40xi32, #tpu.memory_space<vmem>>
    %dma_start3A_66 = arith.constant 0 : i32
    %dma_start3A_67 = arith.constant 0 : i32
    %dma_start3A_68 = tpu.memref_slice %arg8[%dma_start3A_66, %dma_start3A_67] : memref<10000x128xf32, #tpu.memory_space<vmem_shared>> -> memref<10000x128xf32, #tpu.memory_space<vmem_shared>>
    tpu.enqueue_indirect_dma source(%arg9 : memref<40x128xf32, #tpu.memory_space<vmem>>) target(%dma_start3A_68 : memref<10000x128xf32, #tpu.memory_space<vmem_shared>>) offsets(%dma_start3A_65 : memref<40xi32, #tpu.memory_space<vmem>>) semaphore(%arg21 : memref<!tpu.dma_semaphore, #tpu.memory_space<semaphore_mem>>) {add = true}
    %dma_wait3A_69 = arith.constant 9880 : i32
    %dma_wait3A_70 = tpu.memref_slice %arg6[%dma_wait3A_69] : memref<10000xi32, #tpu.memory_space<vmem>> -> memref<40xi32, #tpu.memory_space<vmem>>
    %dma_wait3A_71 = arith.constant 0 : i32
    %dma_wait3A_72 = arith.constant 0 : i32
    %dma_wait3A_73 = tpu.memref_slice %arg2[%dma_wait3A_71, %dma_wait3A_72] : memref<10000x128xf32, #tpu.memory_space<hbm>> -> memref<10000x128xf32, #tpu.memory_space<hbm>>
    tpu.wait_indirect_dma semaphore(%arg16 : memref<!tpu.dma_semaphore, #tpu.memory_space<semaphore_mem>>) src(%dma_wait3A_73 : memref<10000x128xf32, #tpu.memory_space<hbm>>) dst(%arg10 : memref<40x128xf32, #tpu.memory_space<vmem>>)
    %dma_start3A_74 = arith.constant 9880 : i32
    %dma_start3A_75 = tpu.memref_slice %arg7[%dma_start3A_74] : memref<10000xi32, #tpu.memory_space<vmem>> -> memref<40xi32, #tpu.memory_space<vmem>>
    %dma_start3A_76 = arith.constant 0 : i32
    %dma_start3A_77 = arith.constant 0 : i32
    %dma_start3A_78 = tpu.memref_slice %arg8[%dma_start3A_76, %dma_start3A_77] : memref<10000x128xf32, #tpu.memory_space<vmem_shared>> -> memref<10000x128xf32, #tpu.memory_space<vmem_shared>>
    tpu.enqueue_indirect_dma source(%arg10 : memref<40x128xf32, #tpu.memory_space<vmem>>) target(%dma_start3A_78 : memref<10000x128xf32, #tpu.memory_space<vmem_shared>>) offsets(%dma_start3A_75 : memref<40xi32, #tpu.memory_space<vmem>>) semaphore(%arg22 : memref<!tpu.dma_semaphore, #tpu.memory_space<semaphore_mem>>) {add = true}
    %dma_wait3A_79 = arith.constant 9920 : i32
    %dma_wait3A_80 = tpu.memref_slice %arg6[%dma_wait3A_79] : memref<10000xi32, #tpu.memory_space<vmem>> -> memref<40xi32, #tpu.memory_space<vmem>>
    %dma_wait3A_81 = arith.constant 0 : i32
    %dma_wait3A_82 = arith.constant 0 : i32
    %dma_wait3A_83 = tpu.memref_slice %arg2[%dma_wait3A_81, %dma_wait3A_82] : memref<10000x128xf32, #tpu.memory_space<hbm>> -> memref<10000x128xf32, #tpu.memory_space<hbm>>
    tpu.wait_indirect_dma semaphore(%arg17 : memref<!tpu.dma_semaphore, #tpu.memory_space<semaphore_mem>>) src(%dma_wait3A_83 : memref<10000x128xf32, #tpu.memory_space<hbm>>) dst(%arg11 : memref<40x128xf32, #tpu.memory_space<vmem>>)
    %dma_start3A_84 = arith.constant 9920 : i32
    %dma_start3A_85 = tpu.memref_slice %arg7[%dma_start3A_84] : memref<10000xi32, #tpu.memory_space<vmem>> -> memref<40xi32, #tpu.memory_space<vmem>>
    %dma_start3A_86 = arith.constant 0 : i32
    %dma_start3A_87 = arith.constant 0 : i32
    %dma_start3A_88 = tpu.memref_slice %arg8[%dma_start3A_86, %dma_start3A_87] : memref<10000x128xf32, #tpu.memory_space<vmem_shared>> -> memref<10000x128xf32, #tpu.memory_space<vmem_shared>>
    tpu.enqueue_indirect_dma source(%arg11 : memref<40x128xf32, #tpu.memory_space<vmem>>) target(%dma_start3A_88 : memref<10000x128xf32, #tpu.memory_space<vmem_shared>>) offsets(%dma_start3A_85 : memref<40xi32, #tpu.memory_space<vmem>>) semaphore(%arg23 : memref<!tpu.dma_semaphore, #tpu.memory_space<semaphore_mem>>) {add = true}
    %dma_wait3A_89 = arith.constant 9960 : i32
    %dma_wait3A_90 = tpu.memref_slice %arg6[%dma_wait3A_89] : memref<10000xi32, #tpu.memory_space<vmem>> -> memref<40xi32, #tpu.memory_space<vmem>>
    %dma_wait3A_91 = arith.constant 0 : i32
    %dma_wait3A_92 = arith.constant 0 : i32
    %dma_wait3A_93 = tpu.memref_slice %arg2[%dma_wait3A_91, %dma_wait3A_92] : memref<10000x128xf32, #tpu.memory_space<hbm>> -> memref<10000x128xf32, #tpu.memory_space<hbm>>
    tpu.wait_indirect_dma semaphore(%arg18 : memref<!tpu.dma_semaphore, #tpu.memory_space<semaphore_mem>>) src(%dma_wait3A_93 : memref<10000x128xf32, #tpu.memory_space<hbm>>) dst(%arg12 : memref<40x128xf32, #tpu.memory_space<vmem>>)
    %dma_start3A_94 = arith.constant 9960 : i32
    %dma_start3A_95 = tpu.memref_slice %arg7[%dma_start3A_94] : memref<10000xi32, #tpu.memory_space<vmem>> -> memref<40xi32, #tpu.memory_space<vmem>>
    %dma_start3A_96 = arith.constant 0 : i32
    %dma_start3A_97 = arith.constant 0 : i32
    %dma_start3A_98 = tpu.memref_slice %arg8[%dma_start3A_96, %dma_start3A_97] : memref<10000x128xf32, #tpu.memory_space<vmem_shared>> -> memref<10000x128xf32, #tpu.memory_space<vmem_shared>>
    tpu.enqueue_indirect_dma source(%arg12 : memref<40x128xf32, #tpu.memory_space<vmem>>) target(%dma_start3A_98 : memref<10000x128xf32, #tpu.memory_space<vmem_shared>>) offsets(%dma_start3A_95 : memref<40xi32, #tpu.memory_space<vmem>>) semaphore(%arg24 : memref<!tpu.dma_semaphore, #tpu.memory_space<semaphore_mem>>) {add = true}
    %dma_wait3A_99 = arith.constant 9840 : i32
    %dma_wait3A_100 = tpu.memref_slice %arg7[%dma_wait3A_99] : memref<10000xi32, #tpu.memory_space<vmem>> -> memref<40xi32, #tpu.memory_space<vmem>>
    %dma_wait3A_101 = arith.constant 0 : i32
    %dma_wait3A_102 = arith.constant 0 : i32
    %dma_wait3A_103 = tpu.memref_slice %arg8[%dma_wait3A_101, %dma_wait3A_102] : memref<10000x128xf32, #tpu.memory_space<vmem_shared>> -> memref<10000x128xf32, #tpu.memory_space<vmem_shared>>
    tpu.wait_indirect_dma semaphore(%arg21 : memref<!tpu.dma_semaphore, #tpu.memory_space<semaphore_mem>>) src(%arg9 : memref<40x128xf32, #tpu.memory_space<vmem>>) dst(%dma_wait3A_103 : memref<10000x128xf32, #tpu.memory_space<vmem_shared>>)
    %dma_wait3A_104 = arith.constant 9880 : i32
    %dma_wait3A_105 = tpu.memref_slice %arg7[%dma_wait3A_104] : memref<10000xi32, #tpu.memory_space<vmem>> -> memref<40xi32, #tpu.memory_space<vmem>>
    %dma_wait3A_106 = arith.constant 0 : i32
    %dma_wait3A_107 = arith.constant 0 : i32
    %dma_wait3A_108 = tpu.memref_slice %arg8[%dma_wait3A_106, %dma_wait3A_107] : memref<10000x128xf32, #tpu.memory_space<vmem_shared>> -> memref<10000x128xf32, #tpu.memory_space<vmem_shared>>
    tpu.wait_indirect_dma semaphore(%arg22 : memref<!tpu.dma_semaphore, #tpu.memory_space<semaphore_mem>>) src(%arg10 : memref<40x128xf32, #tpu.memory_space<vmem>>) dst(%dma_wait3A_108 : memref<10000x128xf32, #tpu.memory_space<vmem_shared>>)
    %dma_wait3A_109 = arith.constant 9920 : i32
    %dma_wait3A_110 = tpu.memref_slice %arg7[%dma_wait3A_109] : memref<10000xi32, #tpu.memory_space<vmem>> -> memref<40xi32, #tpu.memory_space<vmem>>
    %dma_wait3A_111 = arith.constant 0 : i32
    %dma_wait3A_112 = arith.constant 0 : i32
    %dma_wait3A_113 = tpu.memref_slice %arg8[%dma_wait3A_111, %dma_wait3A_112] : memref<10000x128xf32, #tpu.memory_space<vmem_shared>> -> memref<10000x128xf32, #tpu.memory_space<vmem_shared>>
    tpu.wait_indirect_dma semaphore(%arg23 : memref<!tpu.dma_semaphore, #tpu.memory_space<semaphore_mem>>) src(%arg11 : memref<40x128xf32, #tpu.memory_space<vmem>>) dst(%dma_wait3A_113 : memref<10000x128xf32, #tpu.memory_space<vmem_shared>>)
    %dma_wait3A_114 = arith.constant 9960 : i32
    %dma_wait3A_115 = tpu.memref_slice %arg7[%dma_wait3A_114] : memref<10000xi32, #tpu.memory_space<vmem>> -> memref<40xi32, #tpu.memory_space<vmem>>
    %dma_wait3A_116 = arith.constant 0 : i32
    %dma_wait3A_117 = arith.constant 0 : i32
    %dma_wait3A_118 = tpu.memref_slice %arg8[%dma_wait3A_116, %dma_wait3A_117] : memref<10000x128xf32, #tpu.memory_space<vmem_shared>> -> memref<10000x128xf32, #tpu.memory_space<vmem_shared>>
    tpu.wait_indirect_dma semaphore(%arg24 : memref<!tpu.dma_semaphore, #tpu.memory_space<semaphore_mem>>) src(%arg12 : memref<40x128xf32, #tpu.memory_space<vmem>>) dst(%dma_wait3A_118 : memref<10000x128xf32, #tpu.memory_space<vmem_shared>>)
    %dma_wait3A_119 = arith.constant 9760 : i32
    %dma_wait3A_120 = tpu.memref_slice %arg7[%dma_wait3A_119] : memref<10000xi32, #tpu.memory_space<vmem>> -> memref<40xi32, #tpu.memory_space<vmem>>
    %dma_wait3A_121 = arith.constant 0 : i32
    %dma_wait3A_122 = arith.constant 0 : i32
    %dma_wait3A_123 = tpu.memref_slice %arg8[%dma_wait3A_121, %dma_wait3A_122] : memref<10000x128xf32, #tpu.memory_space<vmem_shared>> -> memref<10000x128xf32, #tpu.memory_space<vmem_shared>>
    tpu.wait_indirect_dma semaphore(%arg25 : memref<!tpu.dma_semaphore, #tpu.memory_space<semaphore_mem>>) src(%arg13 : memref<40x128xf32, #tpu.memory_space<vmem>>) dst(%dma_wait3A_123 : memref<10000x128xf32, #tpu.memory_space<vmem_shared>>)
    %dma_wait3A_124 = arith.constant 9800 : i32
    %dma_wait3A_125 = tpu.memref_slice %arg7[%dma_wait3A_124] : memref<10000xi32, #tpu.memory_space<vmem>> -> memref<40xi32, #tpu.memory_space<vmem>>
    %dma_wait3A_126 = arith.constant 0 : i32
    %dma_wait3A_127 = arith.constant 0 : i32
    %dma_wait3A_128 = tpu.memref_slice %arg8[%dma_wait3A_126, %dma_wait3A_127] : memref<10000x128xf32, #tpu.memory_space<vmem_shared>> -> memref<10000x128xf32, #tpu.memory_space<vmem_shared>>
    tpu.wait_indirect_dma semaphore(%arg26 : memref<!tpu.dma_semaphore, #tpu.memory_space<semaphore_mem>>) src(%arg14 : memref<40x128xf32, #tpu.memory_space<vmem>>) dst(%dma_wait3A_128 : memref<10000x128xf32, #tpu.memory_space<vmem_shared>>)
    %barrier3A_129 = arith.constant 0 : index
    tpu.barrier barrier_id(%barrier3A_129)
    %lt3A_130 = arith.constant 10 : i32
    %lt3A_131 = arith.cmpi slt, %arg1, %lt3A_130 : i32
    %convert_element_type3A_132 = arith.extui %lt3A_131 : i1 to i32
    %cond3A_133 = arith.constant 0 : i32
    %cond3A_134 = arith.cmpi ne, %convert_element_type3A_132, %cond3A_133 : i32
    scf.if %cond3A_134 {
      "tpu.region"() ({
        %run_scoped3A = tpu.sem_alloc : memref<!tpu.dma_semaphore, #tpu.memory_space<semaphore_mem>>
        %dma_start3A_135 = arith.constant 0 : i32
        %dma_start3A_136 = tpu.memref_slice %arg5[%arg0, %mul3A_2, %dma_start3A_135] : memref<2x10000x128xf32, #tpu.memory_space<hbm>> -> memref<1x1000x128xf32, #tpu.memory_space<hbm>>
        %dma_start3A_137 = tpu.memref_squeeze %dma_start3A_136 : memref<1x1000x128xf32, #tpu.memory_space<hbm>> -> memref<1000x128xf32, #tpu.memory_space<hbm>>
        %dma_start3A_138 = arith.constant 0 : i32
        %dma_start3A_139 = tpu.memref_slice %arg8[%mul3A_2, %dma_start3A_138] : memref<10000x128xf32, #tpu.memory_space<vmem_shared>> -> memref<1000x128xf32, #tpu.memory_space<vmem_shared>>
        tpu.enqueue_dma source(%dma_start3A_139 : memref<1000x128xf32, #tpu.memory_space<vmem_shared>>) target(%dma_start3A_137 : memref<1000x128xf32, #tpu.memory_space<hbm>>) target_semaphore(%run_scoped3A : memref<!tpu.dma_semaphore, #tpu.memory_space<semaphore_mem>>)
        %dma_wait3A_140 = arith.constant 0 : i32
        %dma_wait3A_141 = tpu.memref_slice %arg5[%arg0, %mul3A_2, %dma_wait3A_140] : memref<2x10000x128xf32, #tpu.memory_space<hbm>> -> memref<1x1000x128xf32, #tpu.memory_space<hbm>>
        %dma_wait3A_142 = tpu.memref_squeeze %dma_wait3A_141 : memref<1x1000x128xf32, #tpu.memory_space<hbm>> -> memref<1000x128xf32, #tpu.memory_space<hbm>>
        %dma_wait3A_143 = arith.constant 0 : i32
        %dma_wait3A_144 = tpu.memref_slice %arg8[%mul3A_2, %dma_wait3A_143] : memref<10000x128xf32, #tpu.memory_space<vmem_shared>> -> memref<1000x128xf32, #tpu.memory_space<vmem_shared>>
        tpu.wait_dma2 semaphore(%run_scoped3A : memref<!tpu.dma_semaphore, #tpu.memory_space<semaphore_mem>>) src(%dma_wait3A_144 : memref<1000x128xf32, #tpu.memory_space<vmem_shared>>) dst(%dma_wait3A_142 : memref<1000x128xf32, #tpu.memory_space<hbm>>)
        tpu.yield
      }) : () -> ()
    } else {
    }
    return
  }
}

module attributes {stable_mosaic.version = 14 : i64} {
  func.func @_matmul_body(%arg0: i32, %arg1: memref<2000x128xf32, #tpu.memory_space<vmem>>, %arg2: memref<128x128xf32, #tpu.memory_space<vmem>>, %arg3: memref<2000x128xf32, #tpu.memory_space<vmem>>) attributes {dimension_semantics = [#tpu.dimension_semantics<arbitrary>], iteration_bounds = array<i64: 5>, scalar_prefetch = 0 : i64, scratch_operands = 0 : i64, tpu.core_type = #tpu.core_type<tc>, window_params = [{transform_indices = @transform_0, window_bounds = array<i64: 2000, 128>}, {pipeline_mode = #tpu.pipeline_mode<synchronous>, transform_indices = @transform_1, window_bounds = array<i64: 128, 128>}, {transform_indices = @transform_2, window_bounds = array<i64: 2000, 128>}]} {
    %get3A = arith.constant 0 : index
    %get3A_0 = arith.constant 0 : index
    %get3A_1 = vector.load %arg1[%get3A, %get3A_0] : memref<2000x128xf32, #tpu.memory_space<vmem>>, vector<2000x128xf32>
    %get3A_2 = arith.constant 0 : index
    %get3A_3 = arith.constant 0 : index
    %get3A_4 = vector.load %arg2[%get3A_2, %get3A_3] : memref<128x128xf32, #tpu.memory_space<vmem>>, vector<128x128xf32>
    %dot_general3A = arith.constant dense<0.000000e+00> : vector<2000x128xf32>
    %dot_general3A_5 = tpu.matmul %get3A_1, %get3A_4, %dot_general3A {dimension_numbers = #tpu.dot_dimension_numbers<[1], [0], [0], [1], [0, 0, 1, 1], [], []>, transpose_lhs_hint = false} : vector<2000x128xf32>, vector<128x128xf32>, vector<2000x128xf32> -> vector<2000x128xf32>
    %swap3A = arith.constant 0 : index
    %swap3A_6 = arith.constant 0 : index
    %swap3A_7 = vector.load %arg3[%swap3A, %swap3A_6] : memref<2000x128xf32, #tpu.memory_space<vmem>>, vector<2000x128xf32>
    tpu.vector_store %arg3[%swap3A, %swap3A_6], %dot_general3A_5 {strides = array<i32>} : memref<2000x128xf32, #tpu.memory_space<vmem>>, vector<2000x128xf32>,
    return
  }
  func.func @transform_0(%arg0: i32) -> (i32, i32) {
    %c0_i32 = arith.constant 0 : i32
    %c0_i32_0 = arith.constant 0 : i32
    return %arg0, %c0_i32 : i32, i32
  }
  func.func @transform_1(%arg0: i32) -> (i32, i32) {
    %c0_i32 = arith.constant 0 : i32
    %c0_i32_0 = arith.constant 0 : i32
    %c0_i32_1 = arith.constant 0 : i32
    return %c0_i32, %c0_i32_0 : i32, i32
  }
  func.func @transform_2(%arg0: i32) -> (i32, i32) {
    %c0_i32 = arith.constant 0 : i32
    %c0_i32_0 = arith.constant 0 : i32
    return %arg0, %c0_i32 : i32, i32
  }
}

module attributes {stable_mosaic.version = 14 : i64} {
  func.func @_combine_body(%arg0: i32, %arg1: memref<2x2000x128xf32, #tpu.memory_space<vmem>>, %arg2: memref<1x128xf32, #tpu.memory_space<vmem>>, %arg3: memref<2000x128xf32, #tpu.memory_space<vmem>>) attributes {dimension_semantics = [#tpu.dimension_semantics<arbitrary>], iteration_bounds = array<i64: 5>, scalar_prefetch = 0 : i64, scratch_operands = 0 : i64, tpu.core_type = #tpu.core_type<tc>, window_params = [{transform_indices = @transform_0, window_bounds = array<i64: 2, 2000, 128>}, {pipeline_mode = #tpu.pipeline_mode<synchronous>, transform_indices = @transform_1, window_bounds = array<i64: 1, 128>}, {transform_indices = @transform_2, window_bounds = array<i64: 2000, 128>}]} {
    %get3A = arith.constant 0 : index
    %get3A_0 = arith.constant 0 : index
    %get3A_1 = arith.constant 0 : index
    %get3A_2 = vector.load %arg1[%get3A, %get3A_0, %get3A_1] : memref<2x2000x128xf32, #tpu.memory_space<vmem>>, vector<1x2000x128xf32>
    %get3A_3 = vector.shape_cast %get3A_2 : vector<1x2000x128xf32> to vector<2000x128xf32>
    %get3A_4 = arith.constant 1 : index
    %get3A_5 = arith.constant 0 : index
    %get3A_6 = arith.constant 0 : index
    %get3A_7 = vector.load %arg1[%get3A_4, %get3A_5, %get3A_6] : memref<2x2000x128xf32, #tpu.memory_space<vmem>>, vector<1x2000x128xf32>
    %get3A_8 = vector.shape_cast %get3A_7 : vector<1x2000x128xf32> to vector<2000x128xf32>
    %add3A = arith.addf %get3A_3, %get3A_8 : vector<2000x128xf32>
    %get3A_9 = arith.constant 0 : index
    %get3A_10 = arith.constant 0 : index
    %get3A_11 = vector.load %arg2[%get3A_9, %get3A_10] : memref<1x128xf32, #tpu.memory_space<vmem>>, vector<1x128xf32>
    %add3A_12 = vector.broadcast %get3A_11 : vector<1x128xf32> to vector<2000x128xf32>
    %add3A_13 = arith.addf %add3A, %add3A_12 : vector<2000x128xf32>
    %max3A = arith.constant 0.000000e+00 : f32
    %max3A_14 = vector.broadcast %max3A : f32 to vector<2000x128xf32>
    %max3A_15 = arith.maximumf %add3A_13, %max3A_14 : vector<2000x128xf32>
    %swap3A = arith.constant 0 : index
    %swap3A_16 = arith.constant 0 : index
    %swap3A_17 = vector.load %arg3[%swap3A, %swap3A_16] : memref<2000x128xf32, #tpu.memory_space<vmem>>, vector<2000x128xf32>
    tpu.vector_store %arg3[%swap3A, %swap3A_16], %max3A_15 {strides = array<i32>} : memref<2000x128xf32, #tpu.memory_space<vmem>>, vector<2000x128xf32>,
    return
  }
  func.func @transform_0(%arg0: i32) -> (i32, i32, i32) {
    %c0_i32 = arith.constant 0 : i32
    %c0_i32_0 = arith.constant 0 : i32
    %c0_i32_1 = arith.constant 0 : i32
    return %c0_i32, %arg0, %c0_i32_0 : i32, i32, i32
  }
  func.func @transform_1(%arg0: i32) -> (i32, i32) {
    %c0_i32 = arith.constant 0 : i32
    %c0_i32_0 = arith.constant 0 : i32
    %c0_i32_1 = arith.constant 0 : i32
    return %c0_i32, %c0_i32_0 : i32, i32
  }
  func.func @transform_2(%arg0: i32) -> (i32, i32) {
    %c0_i32 = arith.constant 0 : i32
    %c0_i32_0 = arith.constant 0 : i32
    return %arg0, %c0_i32 : i32, i32
  }
}

</mosaic_0001>

<sc_bundles>
// kernel: kernel.5.cloned.1.call-start
scs
__scs_entry_jumppad:
0x0: {  	(pc) =	sbr.rel $0x88, $3  }
0x1: {  	(tag) =	ssettag $0x0;
	lr =	simm.s32 $0x1  }
0x2: {  	[smem:$0x3F9D] =	sst lr;
	_ =	strace $0xD0000000  }
0x3: {  	_ = 	snop  }
0x4: {  	_ = 	snop  }
0x5: {  	_ = 	snop  }
0x6: {  	_ = 	snop  }
0x7: {  	_ = 	snop  }
__scs_overlays_trampoline_lowered:
0x8: {  	[smem:$0x3FAC] =	sst s0  }
0x9: {  	[smem:$0x3FAD] =	sst s1  }
0xa: {  	[smem:$0x3FAE] =	sst s2  }
0xb: {  	[smem:$0x3FAF] =	sst s3  }
0xc: {  	[smem:$0x3FB0] =	sst s4  }
0xd: {  	[smem:$0x3FB1] =	sst s5  }
0xe: {  	[smem:$0x3FB2] =	sst s6  }
0xf: {  	[smem:$0x3FB3] =	sst s7  }
0x10: {  	[smem:$0x3FB4] =	sst s8  }
0x11: {  	[smem:$0x3FB5] =	sst s9;
	s0 =	simm.s32 @!p0 $0x0  }
0x12: {  	s1 =	sld [smem:$0x3F9B];
	s0 =	simm.s32 @p0 $0x1  }
0x13: {  	[smem:$0x3FB6] =	sst s0;
	s0 =	simm.s32 @!p1 $0x0  }
0x14: {  	s2 =	sld [smem:$0x3F9A];
	s0 =	simm.s32 @p1 $0x1  }
0x15: {  	[smem:$0x3FB7] =	sst s0;
	s0 =	simm.s32 @!p2 $0x0  }
0x16: {  	s3 =	sld [smem:$0x3FDB];
	s0 =	simm.s32 @p2 $0x1  }
0x17: {  	s4 =	simm.s32 $0x1BF5;
	[smem:$0x3FB9] =	sst s0  }
0x18: {  	s0 =	sld [smem:$0x3F9C];
	_ =	swait.ge [sflag:s4], $0x0  }
0x19: {  	s7 =	sld [smem:$0x3F9D]  }
0x1a: {  	s8 =	sadd.s32 $0xFFFFE003, lr  }
0x1b: {  	s9 =	sadd.s32 $0xFFFFFEF7, lr;
	s5 =	simm.s32 $0xFFFFFFFF;
	p2 =	slt.u32 s8, $0xFFFFF086  }
0x1c: {  	p1 =	slt.u32 s9, $0xF7A;
	s5 =	simm.s32 @!p2 $0x0  }
0x1d: {  	s5 =	simm.s32 @p1 $0x1;
	p0 =	seq.s32 s7, s2  }
0x1e: {  	s7 =	smul.u32 @!p0 $0xF7A, s2;
	p2 =	seq.s32 @!p0 s5, $0x0  }
0x1f: {  	s9 =	smul.u32 $0xF7A, s1;
	s8 =	simm.s32 @!p0 $0x1BF5;
	p2 =	por !p2, p0  }
0x20: {  	[sflag:s8] =	ssyncset.s32 @!p0 $0xFFFFF086;
	s6 =	sadd.s32 @!p0 s3, s7;
	s7 =	simm.s32 @!p0 $0x108  }
0x21: {  	s3 =	sadd.s32 s3, s9;
	s6 =	sadd.s32 @!p0 $0x88, s6;
	s7 =	simm.s32 @p2 $0x1082  }
0x22: {  	[simem:s7], [sflag:s8] =	dma.local @!p0 [hbm:s6], $0xF7A  }
0x23: {  	s9 =	sor.u32 $0xD0000000, s2;
	s6 =	simm.s32 $0x108;
	_ =	swait.ge @!p0 [sflag:s8], $0x0  }
0x24: {  	s3 =	sadd.s32 $0x88, s3;
	s6 =	simm.s32 @!p1 $0x1082;
	[sflag:s4] =	ssyncset.s32 $0xFFFFF086  }
0x25: {  	[simem:s6], [sflag:s4] =	dma.local [hbm:s3], $0xF7A  }
0x26: {  	[smem:$0x3F9D] =	sst s1;
	(tag) =	ssettag s2;
	_ =	strace s9  }
0x27: {  	s1 =	sld [smem:$0x3FAD]  }
0x28: {  	s2 =	sld [smem:$0x3FAE]  }
0x29: {  	s4 =	sld [smem:$0x3FB0]  }
0x2a: {  	p0 =	seq.s32 s5, $0x0;
	s5 =	sld [smem:$0x3FB1]  }
0x2b: {  	s6 =	sld [smem:$0x3FB2]  }
0x2c: {  	s7 =	sld [smem:$0x3FB3]  }
0x2d: {  	s3 =	simm.s32 $0x108;
	s8 =	sld [smem:$0x3FB4]  }
0x2e: {  	s3 =	simm.s32 @!p0 $0x1082;
	s9 =	sld [smem:$0x3FB5]  }
0x2f: {  	lr =	sadd.s32 s0, s3;
	s0 =	sld [smem:$0x3FAC]  }
0x30: {  	s3 =	sld [smem:$0x3FAF]  }
0x31: {  	[smem:$0x3FB8] =	sst s10  }
0x32: {  	s10 =	sld [smem:$0x3FB6];
	_ =	sdelay $0x3  }
0x33: {  	p0 =	seq.s32 s10, $0x1;
	s10 =	sld [smem:$0x3FB8];
	_ =	sdelay $0x3  }
0x34: {  	[smem:$0x3FB8] =	sst s10  }
0x35: {  	s10 =	sld [smem:$0x3FB7];
	_ =	sdelay $0x3  }
0x36: {  	p1 =	seq.s32 s10, $0x1;
	s10 =	sld [smem:$0x3FB8];
	_ =	sdelay $0x3  }
0x37: {  	[smem:$0x3FB8] =	sst s10  }
0x38: {  	s10 =	sld [smem:$0x3FB9]  }
0x39: {  	_ = 	snop;
	(pc) =	sbr.ind lr, $3  }
0x3a: {  	_ = 	snop  }
0x3b: {  	_ = 	snop  }
0x3c: {  	p2 =	seq.s32 s10, $0x1;
	s10 =	sld [smem:$0x3FB8]  }
0x3d: {  	_ =	shalt  }
0x3e: {  	_ =	shalt  }
0x3f: {  	_ =	shalt  }
0x40: {  	_ =	shalt  }
0x41: {  	_ =	shalt  }
0x42: {  	_ =	shalt  }
0x43: {  	_ =	shalt  }
0x44: {  	_ =	shalt  }
0x45: {  	_ =	shalt  }
0x46: {  	_ =	shalt  }
0x47: {  	_ =	shalt  }
0x48: {  	_ =	shalt  }
0x49: {  	_ =	shalt  }
0x4a: {  	_ =	shalt  }
0x4b: {  	_ =	shalt  }
0x4c: {  	_ =	shalt  }
0x4d: {  	_ =	shalt  }
0x4e: {  	_ =	shalt  }
0x4f: {  	_ =	shalt  }
0x50: {  	_ =	shalt  }
0x51: {  	_ =	shalt  }
0x52: {  	_ =	shalt  }
0x53: {  	_ =	shalt  }
0x54: {  	_ =	shalt  }
0x55: {  	_ =	shalt  }
0x56: {  	_ =	shalt  }
0x57: {  	_ =	shalt  }
0x58: {  	_ =	shalt  }
0x59: {  	_ =	shalt  }
0x5a: {  	_ =	shalt  }
0x5b: {  	_ =	shalt  }
0x5c: {  	_ =	shalt  }
0x5d: {  	_ =	shalt  }
0x5e: {  	_ =	shalt  }
0x5f: {  	_ =	shalt  }
0x60: {  	_ =	shalt  }
0x61: {  	_ =	shalt  }
0x62: {  	_ =	shalt  }
0x63: {  	_ =	shalt  }
0x64: {  	_ =	shalt  }
0x65: {  	_ =	shalt  }
0x66: {  	_ =	shalt  }
0x67: {  	_ =	shalt  }
0x68: {  	_ =	shalt  }
0x69: {  	_ =	shalt  }
0x6a: {  	_ =	shalt  }
0x6b: {  	_ =	shalt  }
0x6c: {  	_ =	shalt  }
0x6d: {  	_ =	shalt  }
0x6e: {  	_ =	shalt  }
0x6f: {  	_ =	shalt  }
0x70: {  	_ =	shalt  }
0x71: {  	_ =	shalt  }
0x72: {  	_ =	shalt  }
0x73: {  	_ =	shalt  }
0x74: {  	_ =	shalt  }
0x75: {  	_ =	shalt  }
0x76: {  	_ =	shalt  }
0x77: {  	_ =	shalt  }
0x78: {  	_ =	shalt  }
0x79: {  	_ =	shalt  }
0x7a: {  	_ =	shalt  }
0x7b: {  	_ =	shalt  }
0x7c: {  	_ =	shalt  }
0x7d: {  	_ =	shalt  }
0x7e: {  	_ =	shalt  }
0x7f: {  	_ =	shalt  }
0x80: {  	_ =	shalt  }
0x81: {  	_ =	shalt  }
0x82: {  	_ =	shalt  }
0x83: {  	_ =	shalt  }
0x84: {  	_ =	shalt  }
0x85: {  	_ =	shalt  }
0x86: {  	_ =	shalt  }
0x87: {  	_ =	shalt  }
.Lfunc_end0:
.L_simem_size_0:
called_computation_lowered:
.L_overlay_start_0:
0x88: {  	s2 =	sld [smem:$0x3FD9]  }
0x89: {  	s3 =	sld [smem:$0x3FFE];
	_ =	sdelay $0x1  }
0x8a: {  	s1 =	srdreg.scid  }
0x8b: {  	s0 =	sand.u32 $0x1, s1  }
0x8c: {  	s17 =	sshll.u32 s0, $0xA;
	s2 =	sadd.s32 s3, s2  }
0x8d: {  	s2 =	sadd.s32 s2, s17  }
0x8e: {  	[smem:$0x3FC4] =	sst s2  }
0x8f: {  	_ = 	snop  }
0x90: {  	s2 =	sld [smem:$0x3FD0];
	(tm) =	ssettm $0x1  }
0x91: {  	s18 =	sld [smem:$0x3FFB];
	_ =	sdelay $0x3  }
0x92: {  	_ =	strace s18  }
0x93: {  	s3 =	sld [smem:$0x3FFC];
	_ =	sdelay $0x3  }
0x94: {  	_ =	strace s3  }
0x95: {  	s3 =	sld [smem:$0x3FFD];
	_ =	sdelay $0x3  }
0x96: {  	_ =	strace s3  }
0x97: {  	_ =	strace $0x8FFFFFFF  }
0x98: {  	s19 =	sld [smem:$0x3FDB];
	_ =	sdelay $0x1  }
0x99: {  	s4 =	simm.s32 $_scs_section_size  }
0x9a: {  	s5 =	simm.s32 $_size__tile_overlayer_lowered;
	s6 =	simm.s32 $_tile_overlayer_lowered  }
0x9b: {  	s22 =	simm.s32 $0x1BFF;
	s21 =	sshll.u32 s6, $0x1;
	s3 =	sadd.s32 s4, s19  }
0x9c: {  	s7 =	simm.s32 $0x0;
	s20 =	sshll.u32 s5, $0x1;
	s5 =	sadd.s32 s21, s3  }
0x9d: {  	[timem:s7], [sflag:s22] =	dma.local [hbm:s5], s20  }
0x9e: {  	_ =	swait.ge [sflag:s22], s20  }
0x9f: {  	s4 =	ssub.s32 $0x0, s20;
	[sflag:s22] =	ssyncset.done $0x0  }
0xa0: {  	[sflag:s22] =	ssyncadd.s32 s4;
	_ =	sdelay $0x1  }
0xa1: {  	s23 =	simm.s32 $0x1B8B  }
0xa2: {  	_ =	swait.ge [sflag:s23], $0x1  }
0xa3: {  	[sflag:s23] =	ssyncset.done $0x0  }
0xa4: {  	s25 =	simm.s32 $0x1B8E;
	s24 =	sld [smem:$0x3FFE];
	[sflag:s23] =	ssyncadd.s32 $0xFFFFFFFF  }
0xa5: {  	s26 =	simm.s32 $execute0_lowered;
	[smem:$0x3FD2] =	sst s25  }
0xa6: {  	s5 =	sshll.u32 s26, $0x1;
	_ =	strace $0x80000046;
	[dreg:$0x1] =	wrdreg $0xFFFFFFFF  }
0xa7: {  	s28 =	simm.s32 $_size_execute0_lowered;
	s3 =	sadd.s32 s3, s5;
	[dreg:$0x0] =	wrdreg $0x0  }
0xa8: {  	s5 =	sshll.u32 s28, $0x1;
	[dreg:$0x2] =	wrdreg s3  }
0xa9: {  	[dreg:$0x3] =	wrdreg s5  }
0xaa: {  	[dreg:$0x4] =	wrdreg $0xC0  }
0xab: {  	_ =	task [dreg:s7], $0x5FFFF  }
0xac: {  	[dreg:$0x1] =	wrdreg $0xFFFFFFFF  }
0xad: {  	[dreg:$0x0] =	wrdreg $0x60  }
0xae: {  	[dreg:$0x2] =	wrdreg s2  }
0xaf: {  	[dreg:$0x3] =	wrdreg s24  }
0xb0: {  	[dreg:$0x4] =	wrdreg $0x4F000  }
0xb1: {  	[dreg:$0x5] =	wrdreg $0x9  }
0xb2: {  	_ =	task.clear_ibuf [dreg:s7], $0x6FFFF;
	_ =	strace $0x90000046  }
0xb3: {  	s29 =	simm.s32 $0x9;
	_ =	strace $0x80000048  }
0xb4: {  	_ =	swait.ge [sflag:s29], $0x1  }
0xb5: {  	[sflag:s29] =	ssyncadd.s32 $0xFFFFFFFF  }
0xb6: {  	_ =	strace $0x90000048  }
0xb7: {  	_ =	sfence  }
0xb8: {  	s30 =	sld [smem:$0x0];
	_ =	sdelay $0x2  }
0xb9: {  	s31 =	sshll.u32 s1, $0xD;
	s1 =	sshrl.u32 s1, $0x2  }
0xba: {  	s3 =	sand.u32 $0x4000, s31;
	s1 =	sadd.s32 s1, s30  }
0xbb: {  	s0 =	sor.u32 s3, s0;
	s1 =	sshll.u32 s1, $0x11  }
0xbc: {  	s0 =	sor.u32 s1, s0  }
0xbd: {  	s0 =	sadd.s32 $0x8F2B, s0  }
0xbe: {  	[sflag:s0] =	ssyncadd.remote.s32 $0x1  }
0xbf: {  	_ =	sfence.sel $0xFFFF  }
0xc0: {  	[dreg:$0x0] =	wrdreg $0xFFFFFFFF;
	(pc) =	sbr.abs _section_cstart, $3  }
0xc1: {  	[dreg:$0x1] =	wrdreg $0xFFFFFFFF  }
0xc2: {  	_ =	task.clear_ibuf [dreg:s7], $0x2FFFF;
	_ =	strace $0x9FFFFFFF  }
0xc3: {  	(tm) =	ssettm $0x7FFFFFFF  }
tec
execute0_lowered:
.L_overlay_start_1:
0x0: {  	(tag) =	ssettag $0x1  }
0x1: {  	s1 =	rddreg [dreg:$0x0]  }
0x2: {  	s0 =	srdreg.scid;
	s4 =	rddreg [dreg:$0x1]  }
0x3: {  	s8 =	stileid.u32;
	s3 =	rddreg [dreg:$0x2];
	s6 =	simm.s32 $0x0  }
0x4: {  	s14 =	simm.s32 $0x1;
	s15 =	simm.s32 $0x2;
	s16 =	simm.s32 $0x28  }
0x5: {  	s17 =	simm.s32 $0x1EB80;
	s18 =	simm.s32 $0x18780;
	s19 =	simm.s32 $0x19B80  }
0x6: {  	s20 =	simm.s32 $0x3;
	s21 =	simm.s32 $0x1AF80;
	s22 =	simm.s32 $0x4  }
0x7: {  	s30 =	simm.s32 $0x1D780;
	s29 =	simm.s32 $0x8;
	s31 =	simm.s32 $0x9  }
0x8: {  	s0 =	sand.u32 $0x1, s0;
	[smem:$0x7FF] =	sst s6;
	s23 =	smul.u32 $0x1F400, s8  }
0x9: {  	s7 =	sadd.s32 $0x14800, s4;
	s25 =	smul.u32 $0x7D000, s8;
	s2 =	sshll.u32 s0, $0x4  }
0xa: {  	s5 =	smul.u32 $0x138800, s0;
	_ =	strace $0x80000047;
	s2 =	sor.u32 s8, s2  }
0xb: {  	[dreg:$0x5] =	wrdreg s7;
	s0 =	ssub.s32 $0x2, s0;
	s2 =	smul.u32 $0x2710, s2  }
0xc: {  	p0 =	sgt.u32 s8, $0x9;
	[dreg:$0x4] =	wrdreg s30;
	s24 =	sshrl.u32 s0, $0x1  }
0xd: {  	s28 =	sshrl.u32 s25, $0x2;
	s0 =	ssub.s32 s0, s24;
	s2 =	sshrl.u32 s2, $0x3  }
0xe: {  	s5 =	sadd.s32 s23, s5;
	s0 =	smax.u32 s0, $0x1;
	s2 =	sadd.s32 s2, s4  }
0xf: {  	s5 =	sshrl.u32 s5, $0x3;
	[dreg:$0xa] =	wrdreg s0;
	s26 =	sadd.s32 $0xE00, s2  }
0x10: {  	s4 =	sadd.s32 s5, s4;
	s2 =	sadd.s32 $0xAA40, s2;
	[dreg:$0x6] =	wrdreg s26  }
0x11: {  	s25 =	simm.s32 $0x6;
	s4 =	sadd.s32 $0x18800, s4;
	[dreg:$0x7] =	wrdreg s2  }
0x12: {  	s23 =	simm.s32 $0x1C380;
	[dreg:$0x8] =	wrdreg s4;
	s4 =	sshll.u32 @!p0 s8, $0x6  }
0x13: {  	s2 =	sadd.s32 s28, s3;
	[dreg:$0x9] =	wrdreg s4;
	s0 =	sor.u32 @!p0 $0x1C03, s4  }
0x14: {  	s24 =	simm.s32 $0x5;
	s7 =	sshrl.u32 @!p0 s2, $0x3;
	[dreg:$0xb] =	wrdreg s0  }
0x15: {  	s2 =	simm.s32 $0x0;
	s0 =	simm.s32 $0xA;
	[dreg:$0xc] =	wrdreg s7  }
.LBB2_1:
0x16: {  	s5 =	rddreg [dreg:$0x6]  }
0x17: {  	s4 =	simm.s32 $0x0;
	s13 =	rddreg [dreg:$0x7]  }
0x18: {  	[tilespmem:s4], [sflag:$0x1] =	stream.linear.gather [hbm4b:s5+s4], $0x2710, $0x38;
	[tilespmem:$0x1FF80] =	vst v63  }
0x19: {  	s6 =	simm.s32 $0x2780;
	s5 =	rddreg [dreg:$0xb]  }
0x1a: {  	[tilespmem:s6], [sflag:$0x2] =	stream.linear.gather [hbm4b:s13+s4], $0x2710, $0x38;
	[tilespmem:$0x1FF80] =	vst v63  }
0x1b: {  	s4 =	rddreg [dreg:$0x5]  }
0x1c: {  	[spmem:s7], [sflag:s5] =	dma.local @!p0 [hbm:s4], $0x3E80  }
0x1d: {  	s4 =	simm.s32 @!p0 $0x3  }
0x1e: {  	_ =	swait.ge @!p0 [sflag:s4], $0x3E80  }
0x1f: {  	[sflag:s4] =	ssyncset.done @!p0 $0x0  }
0x20: {  	[sflag:s4] =	ssyncadd.s32 @!p0 $0xFFFFC180  }
0x21: {  	_ =	swait.ge [sflag:s14], $0x2710  }
0x22: {  	[sflag:s14] =	ssyncset.done $0x0  }
0x23: {  	[sflag:s14] =	ssyncadd.s32 $0xFFFFD8F0  }
0x24: {  	_ =	swait.ge [sflag:s15], $0x2710  }
0x25: {  	[sflag:s15] =	ssyncset.done $0x0  }
0x26: {  	p1 =	por $0x0, $0x0;
	[sflag:s15] =	ssyncadd.s32 $0xFFFFD8F0  }
0x27: {  	s4 =	simm.s32 @p1 $0x7;
	[bflag:$0x0] =	sbarrier.arrive $0xFFFF  }
0x28: {  	_ =	swait.ge @p1 [sflag:s4], $0x1400  }
0x29: {  	s6 =	simm.s32 @p1 $0x28;
	s5 =	simm.s32 @p1 $0x0;
	[sflag:s4] =	ssyncset.done @p1 $0x0  }
0x2a: {  	s7 =	simm.s32 @p1 $0x8;
	[sflag:s4] =	ssyncadd.s32 @p1 $0xFFFFEC00;
	s4 =	simm.s32 @p1 $0x18780  }
0x2b: {  	[tilespmem:s4], [sflag:$0x1] =	stream.indirect.gather @p1 [hbm4b:s1+s6], $0x80, s5, s6, $0xb8;
	[tilespmem:$0x1FF80] =	vst v63  }
0x2c: {  	_ =	swait.ge @p1 [sflag:s7], $0x1400  }
0x2d: {  	s4 =	simm.s32 @p1 $0x28;
	[sflag:s7] =	ssyncset.done @p1 $0x0  }
0x2e: {  	s5 =	simm.s32 @p1 $0x19B80;
	[sflag:s7] =	ssyncadd.s32 @p1 $0xFFFFEC00;
	s7 =	simm.s32 @p1 $0x9  }
0x2f: {  	[tilespmem:s5], [sflag:$0x2] =	stream.indirect.gather @p1 [hbm4b:s1+s6], $0x80, s4, s6, $0xb8;
	[tilespmem:$0x1FF80] =	vst v63  }
0x30: {  	_ =	swait.ge @p1 [sflag:s7], $0x1400  }
0x31: {  	s4 =	simm.s32 @p1 $0x50;
	[sflag:s7] =	ssyncset.done @p1 $0x0  }
0x32: {  	s5 =	simm.s32 @p1 $0x1AF80;
	[sflag:s7] =	ssyncadd.s32 @p1 $0xFFFFEC00;
	s7 =	simm.s32 @p1 $0xA  }
0x33: {  	[tilespmem:s5], [sflag:$0x3] =	stream.indirect.gather @p1 [hbm4b:s1+s6], $0x80, s4, s6, $0xb8;
	[tilespmem:$0x1FF80] =	vst v63  }
0x34: {  	_ =	swait.ge @p1 [sflag:s7], $0x1400  }
0x35: {  	s4 =	simm.s32 @p1 $0x78;
	[sflag:s7] =	ssyncset.done @p1 $0x0  }
0x36: {  	s5 =	simm.s32 @p1 $0x1C380;
	[sflag:s7] =	ssyncadd.s32 @p1 $0xFFFFEC00;
	s7 =	simm.s32 @p1 $0xB  }
0x37: {  	[tilespmem:s5], [sflag:$0x4] =	stream.indirect.gather @p1 [hbm4b:s1+s6], $0x80, s4, s6, $0xb8;
	[tilespmem:$0x1FF80] =	vst v63  }
0x38: {  	_ =	swait.ge @p1 [sflag:s7], $0x1400  }
0x39: {  	s4 =	simm.s32 $0xA0;
	[sflag:s7] =	ssyncset.done @p1 $0x0  }
0x3a: {  	s5 =	simm.s32 @p1 $0x1D780;
	[sflag:s7] =	ssyncadd.s32 @p1 $0xFFFFEC00;
	s7 =	simm.s32 @p1 $0xC  }
0x3b: {  	[tilespmem:s5], [sflag:$0x5] =	stream.indirect.gather @p1 [hbm4b:s1+s6], $0x80, s4, s6, $0xb8;
	[tilespmem:$0x1FF80] =	vst v63  }
0x3c: {  	_ =	swait.ge @p1 [sflag:s7], $0x1400  }
0x3d: {  	s4 =	simm.s32 @!p1 $0x28;
	[sflag:s7] =	ssyncset.done @p1 $0x0  }
0x3e: {  	s5 =	simm.s32 @!p1 $0x0;
	s6 =	simm.s32 @!p1 $0x18780;
	[sflag:s7] =	ssyncadd.s32 @p1 $0xFFFFEC00  }
0x3f: {  	[tilespmem:s6], [sflag:$0x1] =	stream.indirect.gather @!p1 [hbm4b:s1+s4], $0x80, s5, s4, $0xb8;
	[tilespmem:$0x1FF80] =	vst v63  }
0x40: {  	s5 =	simm.s32 @!p1 $0x19B80  }
0x41: {  	[tilespmem:s5], [sflag:$0x2] =	stream.indirect.gather @!p1 [hbm4b:s1+s4], $0x80, s4, s4, $0xb8;
	[tilespmem:$0x1FF80] =	vst v63  }
0x42: {  	s6 =	simm.s32 @!p1 $0x1AF80;
	s5 =	simm.s32 @!p1 $0x50  }
0x43: {  	[tilespmem:s6], [sflag:$0x3] =	stream.indirect.gather @!p1 [hbm4b:s1+s4], $0x80, s5, s4, $0xb8;
	[tilespmem:$0x1FF80] =	vst v63  }
0x44: {  	s7 =	simm.s32 @!p1 $0x1C380;
	s6 =	simm.s32 @p1 $0x0;
	s5 =	simm.s32 @!p1 $0x78  }
0x45: {  	[tilespmem:s7], [sflag:$0x4] =	stream.indirect.gather @!p1 [hbm4b:s1+s4], $0x80, s5, s4, $0xb8;
	[tilespmem:$0x1FF80] =	vst v63  }
0x46: {  	s6 =	simm.s32 @!p1 $0x0;
	s5 =	simm.s32 @!p1 $0xA0;
	s7 =	simm.s32 @!p1 $0x1D780  }
0x47: {  	[tilespmem:s7], [sflag:$0x5] =	stream.indirect.gather @!p1 [hbm4b:s1+s4], $0x80, s5, s4, $0xb8;
	[tilespmem:$0x1FF80] =	vst v63  }
0x48: {  	s26 =	sadd.s32 $0xC8, s6  }
0x49: {  	[tilespmem:s17], [sflag:$0x6] =	stream.indirect.gather [hbm4b:s1+s16], $0x80, s26, s16, $0xb8;
	[tilespmem:$0x1FF80] =	vst v63  }
0x4a: {  	_ =	swait.ge [sflag:s14], $0x1400  }
0x4b: {  	[sflag:s14] =	ssyncset.done $0x0  }
0x4c: {  	s28 =	sadd.s32 $0x2780, s6;
	[sflag:s14] =	ssyncadd.s32 $0xFFFFEC00  }
0x4d: {  	[spmem:s3] =	stream.indirect.scatter.add.f32 [tilespmem:s18], [sflag:$0x7], $0x80, s28, s16, $0xb8;
	[tilespmem:$0x1FF80] =	vst v63  }
0x4e: {  	s4 =	simm.s32 @p1 $0x28;
	_ =	swait.ge [sflag:s15], $0x1400  }
0x4f: {  	s4 =	simm.s32 @!p1 $0x28;
	[sflag:s15] =	ssyncset.done $0x0  }
0x50: {  	s4 =	sadd.s32 $0x2780, s4;
	[sflag:s15] =	ssyncadd.s32 $0xFFFFEC00  }
0x51: {  	[spmem:s3] =	stream.indirect.scatter.add.f32 [tilespmem:s19], [sflag:$0x8], $0x80, s4, s16, $0xb8;
	[tilespmem:$0x1FF80] =	vst v63  }
0x52: {  	s4 =	simm.s32 @p1 $0x50;
	_ =	swait.ge [sflag:s20], $0x1400  }
0x53: {  	s4 =	simm.s32 @!p1 $0x50;
	[sflag:s20] =	ssyncset.done $0x0  }
0x54: {  	s4 =	sadd.s32 $0x2780, s4;
	[sflag:s20] =	ssyncadd.s32 $0xFFFFEC00  }
0x55: {  	[spmem:s3] =	stream.indirect.scatter.add.f32 [tilespmem:s21], [sflag:$0x9], $0x80, s4, s16, $0xb8;
	[tilespmem:$0x1FF80] =	vst v63  }
0x56: {  	s4 =	simm.s32 @p1 $0x78;
	_ =	swait.ge [sflag:s22], $0x1400  }
0x57: {  	s4 =	simm.s32 @!p1 $0x78;
	[sflag:s22] =	ssyncset.done $0x0  }
0x58: {  	s4 =	sadd.s32 $0x2780, s4;
	[sflag:s22] =	ssyncadd.s32 $0xFFFFEC00  }
0x59: {  	[spmem:s3] =	stream.indirect.scatter.add.f32 [tilespmem:s23], [sflag:$0xA], $0x80, s4, s16, $0xb8;
	[tilespmem:$0x1FF80] =	vst v63  }
0x5a: {  	s11 =	simm.s32 $0x190;
	s4 =	simm.s32 $0xA0;
	_ =	swait.ge [sflag:s24], $0x1400  }
0x5b: {  	s8 =	sadd.s32 $0x2848, s6;
	s4 =	simm.s32 @!p1 $0xA0;
	[sflag:s24] =	ssyncset.done $0x0  }
0x5c: {  	s30 =	rddreg [dreg:$0x4];
	s4 =	sadd.s32 $0x2780, s4;
	[sflag:s24] =	ssyncadd.s32 $0xFFFFEC00  }
0x5d: {  	[spmem:s3] =	stream.indirect.scatter.add.f32 [tilespmem:s30], [sflag:$0xB], $0x80, s4, s16, $0xb8;
	[tilespmem:$0x1FF80] =	vst v63  }
0x5e: {  	s5 =	simm.s32 $0x280;
	p1 =	por $0x1, $0x1;
	s4 =	simm.s32 $0x190  }
.LBB2_2:
0x5f: {  	_ =	swait.ge [sflag:s25], $0x1400  }
0x60: {  	[sflag:s25] =	ssyncset.done $0x0  }
0x61: {  	s10 =	simm.s32 @p1 $0x7;
	[sflag:s25] =	ssyncadd.s32 $0xFFFFEC00  }
0x62: {  	[spmem:s3] =	stream.indirect.scatter.add.f32 [tilespmem:s17], [sflag:$0xC], $0x80, s8, s16, $0xb8;
	[tilespmem:$0x1FF80] =	vst v63  }
0x63: {  	s6 =	sadd.s32 @p1 $0xFFFFFF60, s11;
	_ =	swait.ge @p1 [sflag:s10], $0x1400  }
0x64: {  	s28 =	sadd.s32 @p1 $0xFFFFFF60, s4;
	s30 =	simm.s32 @p1 $0x28;
	[sflag:s10] =	ssyncset.done @p1 $0x0  }
0x65: {  	s13 =	simm.s32 @p1 $0x8;
	[sflag:s10] =	ssyncadd.s32 @p1 $0xFFFFEC00;
	s10 =	simm.s32 @p1 $0x18780  }
0x66: {  	[tilespmem:s10], [sflag:$0x1] =	stream.indirect.gather @p1 [hbm4b:s1+s30], $0x80, s28, s30, $0xb8;
	[tilespmem:$0x1FF80] =	vst v63  }
0x67: {  	s9 =	smov.u32 s5;
	s12 =	sadd.s32 @p1 $0xFFFFFF88, s11;
	_ =	swait.ge @p1 [sflag:s13], $0x1400  }
0x68: {  	s7 =	sadd.s32 @p1 $0xFFFFFFB0, s11;
	s26 =	simm.s32 @p1 $0x19B80;
	[sflag:s13] =	ssyncset.done @p1 $0x0  }
0x69: {  	s28 =	sadd.s32 @p1 $0xFFFFFF88, s4;
	[sflag:s13] =	ssyncadd.s32 @p1 $0xFFFFEC00;
	s13 =	simm.s32 @p1 $0x9  }
0x6a: {  	[tilespmem:s26], [sflag:$0x2] =	stream.indirect.gather @p1 [hbm4b:s1+s30], $0x80, s28, s30, $0xb8;
	[tilespmem:$0x1FF80] =	vst v63  }
0x6b: {  	s8 =	sadd.s32 @p1 $0xFFFFFFD8, s11;
	s10 =	smov.u32 s11;
	_ =	swait.ge @p1 [sflag:s13], $0x1400  }
0x6c: {  	s11 =	smov.u32 s9;
	s9 =	simm.s32 @p1 $0xA;
	[sflag:s13] =	ssyncset.done @p1 $0x0  }
0x6d: {  	s26 =	sadd.s32 @p1 $0xFFFFFFB0, s4;
	s28 =	simm.s32 @p1 $0x1AF80;
	[sflag:s13] =	ssyncadd.s32 @p1 $0xFFFFEC00  }
0x6e: {  	[tilespmem:s28], [sflag:$0x3] =	stream.indirect.gather @p1 [hbm4b:s1+s30], $0x80, s26, s30, $0xb8;
	[tilespmem:$0x1FF80] =	vst v63  }
0x6f: {  	_ =	swait.ge @p1 [sflag:s9], $0x1400  }
0x70: {  	s13 =	sadd.s32 @p1 $0xFFFFFFD8, s4;
	[sflag:s9] =	ssyncset.done @p1 $0x0  }
0x71: {  	s26 =	simm.s32 @p1 $0x1C380;
	[sflag:s9] =	ssyncadd.s32 @p1 $0xFFFFEC00;
	s9 =	simm.s32 @p1 $0xB  }
0x72: {  	[tilespmem:s26], [sflag:$0x4] =	stream.indirect.gather @p1 [hbm4b:s1+s30], $0x80, s13, s30, $0xb8;
	[tilespmem:$0x1FF80] =	vst v63  }
0x73: {  	_ =	swait.ge @p1 [sflag:s9], $0x1400  }
0x74: {  	[sflag:s9] =	ssyncset.done @p1 $0x0  }
0x75: {  	s13 =	simm.s32 @p1 $0x1D780;
	s26 =	simm.s32 @p1 $0xC;
	[sflag:s9] =	ssyncadd.s32 @p1 $0xFFFFEC00  }
0x76: {  	[tilespmem:s13], [sflag:$0x5] =	stream.indirect.gather @p1 [hbm4b:s1+s30], $0x80, s4, s30, $0xb8;
	[tilespmem:$0x1FF80] =	vst v63  }
0x77: {  	_ =	swait.ge @p1 [sflag:s26], $0x1400  }
0x78: {  	s9 =	simm.s32 @!p1 $0x28;
	[sflag:s26] =	ssyncset.done @p1 $0x0  }
0x79: {  	s13 =	simm.s32 @!p1 $0x0;
	[sflag:s26] =	ssyncadd.s32 @p1 $0xFFFFEC00;
	s26 =	simm.s32 @!p1 $0x18780  }
0x7a: {  	[tilespmem:s26], [sflag:$0x1] =	stream.indirect.gather @!p1 [hbm4b:s1+s9], $0x80, s13, s9, $0xb8;
	[tilespmem:$0x1FF80] =	vst v63  }
0x7b: {  	s13 =	simm.s32 @!p1 $0x19B80  }
0x7c: {  	[tilespmem:s13], [sflag:$0x2] =	stream.indirect.gather @!p1 [hbm4b:s1+s9], $0x80, s9, s9, $0xb8;
	[tilespmem:$0x1FF80] =	vst v63  }
0x7d: {  	s26 =	simm.s32 @!p1 $0x1AF80;
	s13 =	simm.s32 @!p1 $0x50  }
0x7e: {  	[tilespmem:s26], [sflag:$0x3] =	stream.indirect.gather @!p1 [hbm4b:s1+s9], $0x80, s13, s9, $0xb8;
	[tilespmem:$0x1FF80] =	vst v63  }
0x7f: {  	s13 =	simm.s32 @!p1 $0x78;
	s26 =	simm.s32 @!p1 $0x1C380  }
0x80: {  	[tilespmem:s26], [sflag:$0x4] =	stream.indirect.gather @!p1 [hbm4b:s1+s9], $0x80, s13, s9, $0xb8;
	[tilespmem:$0x1FF80] =	vst v63  }
0x81: {  	s6 =	simm.s32 @!p1 $0x0;
	s13 =	simm.s32 @!p1 $0xA0;
	s26 =	simm.s32 @!p1 $0x1D780  }
0x82: {  	[tilespmem:s26], [sflag:$0x5] =	stream.indirect.gather @!p1 [hbm4b:s1+s9], $0x80, s13, s9, $0xb8;
	[tilespmem:$0x1FF80] =	vst v63  }
0x83: {  	s28 =	sadd.s32 $0xC8, s6  }
0x84: {  	[tilespmem:s17], [sflag:$0x6] =	stream.indirect.gather [hbm4b:s1+s16], $0x80, s28, s16, $0xb8;
	[tilespmem:$0x1FF80] =	vst v63  }
0x85: {  	_ =	swait.ge [sflag:s14], $0x1400  }
0x86: {  	[sflag:s14] =	ssyncset.done $0x0  }
0x87: {  	s30 =	sadd.s32 $0x2780, s6;
	[sflag:s14] =	ssyncadd.s32 $0xFFFFEC00  }
0x88: {  	[spmem:s3] =	stream.indirect.scatter.add.f32 [tilespmem:s18], [sflag:$0x7], $0x80, s30, s16, $0xb8;
	[tilespmem:$0x1FF80] =	vst v63  }
0x89: {  	_ =	swait.ge [sflag:s15], $0x1400  }
0x8a: {  	s12 =	simm.s32 @!p1 $0x28;
	[sflag:s15] =	ssyncset.done $0x0  }
0x8b: {  	s13 =	sadd.s32 $0x2780, s12;
	[sflag:s15] =	ssyncadd.s32 $0xFFFFEC00  }
0x8c: {  	[spmem:s3] =	stream.indirect.scatter.add.f32 [tilespmem:s19], [sflag:$0x8], $0x80, s13, s16, $0xb8;
	[tilespmem:$0x1FF80] =	vst v63  }
0x8d: {  	_ =	swait.ge [sflag:s20], $0x1400  }
0x8e: {  	s7 =	simm.s32 @!p1 $0x50;
	[sflag:s20] =	ssyncset.done $0x0  }
0x8f: {  	s7 =	sadd.s32 $0x2780, s7;
	[sflag:s20] =	ssyncadd.s32 $0xFFFFEC00  }
0x90: {  	[spmem:s3] =	stream.indirect.scatter.add.f32 [tilespmem:s21], [sflag:$0x9], $0x80, s7, s16, $0xb8;
	[tilespmem:$0x1FF80] =	vst v63  }
0x91: {  	_ =	swait.ge [sflag:s22], $0x1400  }
0x92: {  	s5 =	sadd.s32 $0xF0, s5;
	s8 =	simm.s32 @!p1 $0x78;
	[sflag:s22] =	ssyncset.done $0x0  }
0x93: {  	p2 =	sne.s32 s5, $0x2710;
	s26 =	sadd.s32 $0x2780, s8;
	[sflag:s22] =	ssyncadd.s32 $0xFFFFEC00  }
0x94: {  	[spmem:s3] =	stream.indirect.scatter.add.f32 [tilespmem:s23], [sflag:$0xA], $0x80, s26, s16, $0xb8;
	[tilespmem:$0x1FF80] =	vst v63  }
.Ltmp0:
0x95: {  	_ = 	snop;
	(pc) =	sbr.rel @p2 .LBB2_2-.Ltmp0, $4  }
0x96: {  	s10 =	simm.s32 @!p1 $0xA0;
	s4 =	sadd.s32 $0xF0, s4;
	_ =	swait.ge [sflag:s24], $0x1400  }
0x97: {  	p1 =	sne.s32 s11, $0xA0;
	s8 =	sadd.s32 $0x2848, s6;
	[sflag:s24] =	ssyncset.done $0x0  }
0x98: {  	s30 =	sadd.s32 $0x2780, s10;
	s28 =	rddreg [dreg:$0x4];
	[sflag:s24] =	ssyncadd.s32 $0xFFFFEC00  }
0x99: {  	[spmem:s3] =	stream.indirect.scatter.add.f32 [tilespmem:s28], [sflag:$0xB], $0x80, s30, s16, $0xb8;
	[tilespmem:$0x1FF80] =	vst v63  }
0x9a: {  	_ =	swait.ge [sflag:s25], $0x1400  }
0x9b: {  	[sflag:s25] =	ssyncset.done $0x0  }
0x9c: {  	s5 =	simm.s32 @p1 $0x7;
	[sflag:s25] =	ssyncadd.s32 $0xFFFFEC00  }
0x9d: {  	[spmem:s3] =	stream.indirect.scatter.add.f32 [tilespmem:s17], [sflag:$0xC], $0x80, s8, s16, $0xb8;
	[tilespmem:$0x1FF80] =	vst v63  }
0x9e: {  	_ =	swait.ge @p1 [sflag:s5], $0x1400  }
0x9f: {  	s6 =	sadd.s32 @p1 $0xFFFFFF60, s4;
	[sflag:s5] =	ssyncset.done @p1 $0x0  }
0xa0: {  	s7 =	simm.s32 @p1 $0x28;
	[sflag:s5] =	ssyncadd.s32 @p1 $0xFFFFEC00;
	s5 =	simm.s32 @p1 $0x18780  }
0xa1: {  	[tilespmem:s5], [sflag:$0x1] =	stream.indirect.gather @p1 [hbm4b:s1+s7], $0x80, s6, s7, $0xb8;
	[tilespmem:$0x1FF80] =	vst v63  }
0xa2: {  	s5 =	simm.s32 @p1 $0x8  }
0xa3: {  	_ =	swait.ge @p1 [sflag:s5], $0x1400  }
0xa4: {  	[sflag:s5] =	ssyncset.done @p1 $0x0  }
0xa5: {  	s6 =	sadd.s32 @p1 $0xFFFFFF88, s4;
	[sflag:s5] =	ssyncadd.s32 @p1 $0xFFFFEC00;
	s5 =	simm.s32 @p1 $0x19B80  }
0xa6: {  	[tilespmem:s5], [sflag:$0x2] =	stream.indirect.gather @p1 [hbm4b:s1+s7], $0x80, s6, s7, $0xb8;
	[tilespmem:$0x1FF80] =	vst v63  }
0xa7: {  	s5 =	simm.s32 @p1 $0x9  }
0xa8: {  	_ =	swait.ge @p1 [sflag:s5], $0x1400  }
0xa9: {  	[sflag:s5] =	ssyncset.done @p1 $0x0  }
0xaa: {  	s6 =	sadd.s32 @p1 $0xFFFFFFB0, s4;
	[sflag:s5] =	ssyncadd.s32 @p1 $0xFFFFEC00;
	s5 =	simm.s32 @p1 $0x1AF80  }
0xab: {  	[tilespmem:s5], [sflag:$0x3] =	stream.indirect.gather @p1 [hbm4b:s1+s7], $0x80, s6, s7, $0xb8;
	[tilespmem:$0x1FF80] =	vst v63  }
0xac: {  	s5 =	simm.s32 @p1 $0xA  }
0xad: {  	_ =	swait.ge @p1 [sflag:s5], $0x1400  }
0xae: {  	[sflag:s5] =	ssyncset.done @p1 $0x0  }
0xaf: {  	s6 =	sadd.s32 @p1 $0xFFFFFFD8, s4;
	[sflag:s5] =	ssyncadd.s32 @p1 $0xFFFFEC00;
	s5 =	simm.s32 @p1 $0x1C380  }
0xb0: {  	[tilespmem:s5], [sflag:$0x4] =	stream.indirect.gather @p1 [hbm4b:s1+s7], $0x80, s6, s7, $0xb8;
	[tilespmem:$0x1FF80] =	vst v63  }
0xb1: {  	s5 =	simm.s32 @p1 $0xB  }
0xb2: {  	_ =	swait.ge @p1 [sflag:s5], $0x1400  }
0xb3: {  	[sflag:s5] =	ssyncset.done @p1 $0x0  }
0xb4: {  	[sflag:s5] =	ssyncadd.s32 @p1 $0xFFFFEC00;
	s5 =	simm.s32 @p1 $0x1D780  }
0xb5: {  	[tilespmem:s5], [sflag:$0x5] =	stream.indirect.gather @p1 [hbm4b:s1+s7], $0x80, s4, s7, $0xb8;
	[tilespmem:$0x1FF80] =	vst v63  }
0xb6: {  	s4 =	simm.s32 @p1 $0xC  }
0xb7: {  	_ =	swait.ge @p1 [sflag:s4], $0x1400  }
0xb8: {  	s6 =	simm.s32 @!p1 $0x0;
	[sflag:s4] =	ssyncset.done @p1 $0x0  }
0xb9: {  	s5 =	simm.s32 @!p1 $0x28;
	[sflag:s4] =	ssyncadd.s32 @p1 $0xFFFFEC00;
	s4 =	simm.s32 @!p1 $0x18780  }
0xba: {  	[tilespmem:s4], [sflag:$0x1] =	stream.indirect.gather @!p1 [hbm4b:s1+s5], $0x80, s6, s5, $0xb8;
	[tilespmem:$0x1FF80] =	vst v63  }
0xbb: {  	s4 =	simm.s32 @!p1 $0x19B80  }
0xbc: {  	[tilespmem:s4], [sflag:$0x2] =	stream.indirect.gather @!p1 [hbm4b:s1+s5], $0x80, s5, s5, $0xb8;
	[tilespmem:$0x1FF80] =	vst v63  }
0xbd: {  	s6 =	simm.s32 @!p1 $0x1AF80;
	s4 =	simm.s32 @!p1 $0x50  }
0xbe: {  	[tilespmem:s6], [sflag:$0x3] =	stream.indirect.gather @!p1 [hbm4b:s1+s5], $0x80, s4, s5, $0xb8;
	[tilespmem:$0x1FF80] =	vst v63  }
0xbf: {  	s4 =	simm.s32 @!p1 $0x78;
	s6 =	simm.s32 @!p1 $0x1C380  }
0xc0: {  	[tilespmem:s6], [sflag:$0x4] =	stream.indirect.gather @!p1 [hbm4b:s1+s5], $0x80, s4, s5, $0xb8;
	[tilespmem:$0x1FF80] =	vst v63  }
0xc1: {  	s4 =	simm.s32 @!p1 $0xA0;
	s6 =	simm.s32 @!p1 $0x1D780  }
0xc2: {  	[tilespmem:s6], [sflag:$0x5] =	stream.indirect.gather @!p1 [hbm4b:s1+s5], $0x80, s4, s5, $0xb8;
	[tilespmem:$0x1FF80] =	vst v63  }
0xc3: {  	s4 =	sadd.s32 @p1 $0xFFFFFF60, s11  }
0xc4: {  	s4 =	simm.s32 @!p1 $0x0  }
0xc5: {  	s12 =	sadd.s32 $0xC8, s4  }
0xc6: {  	[tilespmem:s17], [sflag:$0x6] =	stream.indirect.gather [hbm4b:s1+s16], $0x80, s12, s16, $0xb8;
	[tilespmem:$0x1FF80] =	vst v63  }
0xc7: {  	_ =	swait.ge [sflag:s14], $0x1400  }
0xc8: {  	[sflag:s14] =	ssyncset.done $0x0  }
0xc9: {  	s13 =	sadd.s32 $0x2780, s4;
	[sflag:s14] =	ssyncadd.s32 $0xFFFFEC00  }
0xca: {  	[spmem:s3] =	stream.indirect.scatter.add.f32 [tilespmem:s18], [sflag:$0x7], $0x80, s13, s16, $0xb8;
	[tilespmem:$0x1FF80] =	vst v63  }
0xcb: {  	s5 =	sadd.s32 @p1 $0xFFFFFF88, s11;
	_ =	swait.ge [sflag:s15], $0x1400  }
0xcc: {  	s5 =	simm.s32 @!p1 $0x28;
	[sflag:s15] =	ssyncset.done $0x0  }
0xcd: {  	s5 =	sadd.s32 $0x2780, s5;
	[sflag:s15] =	ssyncadd.s32 $0xFFFFEC00  }
0xce: {  	[spmem:s3] =	stream.indirect.scatter.add.f32 [tilespmem:s19], [sflag:$0x8], $0x80, s5, s16, $0xb8;
	[tilespmem:$0x1FF80] =	vst v63  }
0xcf: {  	s5 =	sadd.s32 @p1 $0xFFFFFFB0, s11;
	_ =	swait.ge [sflag:s20], $0x1400  }
0xd0: {  	s5 =	simm.s32 @!p1 $0x50;
	[sflag:s20] =	ssyncset.done $0x0  }
0xd1: {  	s5 =	sadd.s32 $0x2780, s5;
	[sflag:s20] =	ssyncadd.s32 $0xFFFFEC00  }
0xd2: {  	[spmem:s3] =	stream.indirect.scatter.add.f32 [tilespmem:s21], [sflag:$0x9], $0x80, s5, s16, $0xb8;
	[tilespmem:$0x1FF80] =	vst v63  }
0xd3: {  	s5 =	sadd.s32 @p1 $0xFFFFFFD8, s11;
	_ =	swait.ge [sflag:s22], $0x1400  }
0xd4: {  	s5 =	simm.s32 @!p1 $0x78;
	[sflag:s22] =	ssyncset.done $0x0  }
0xd5: {  	s5 =	sadd.s32 $0x2780, s5;
	[sflag:s22] =	ssyncadd.s32 $0xFFFFEC00  }
0xd6: {  	[spmem:s3] =	stream.indirect.scatter.add.f32 [tilespmem:s23], [sflag:$0xA], $0x80, s5, s16, $0xb8;
	[tilespmem:$0x1FF80] =	vst v63  }
0xd7: {  	_ =	swait.ge [sflag:s24], $0x1400  }
0xd8: {  	s11 =	simm.s32 @!p1 $0xA0;
	[sflag:s24] =	ssyncset.done $0x0  }
0xd9: {  	s28 =	sadd.s32 $0x2780, s11;
	s26 =	rddreg [dreg:$0x4];
	[sflag:s24] =	ssyncadd.s32 $0xFFFFEC00  }
0xda: {  	[spmem:s3] =	stream.indirect.scatter.add.f32 [tilespmem:s26], [sflag:$0xB], $0x80, s28, s16, $0xb8;
	[tilespmem:$0x1FF80] =	vst v63  }
0xdb: {  	_ =	swait.ge [sflag:s25], $0x1400  }
0xdc: {  	[sflag:s25] =	ssyncset.done $0x0  }
0xdd: {  	s30 =	simm.s32 $0x7;
	s4 =	sadd.s32 $0x2848, s4;
	[sflag:s25] =	ssyncadd.s32 $0xFFFFEC00  }
0xde: {  	[spmem:s3] =	stream.indirect.scatter.add.f32 [tilespmem:s17], [sflag:$0xC], $0x80, s4, s16, $0xb8;
	[tilespmem:$0x1FF80] =	vst v63  }
0xdf: {  	_ =	swait.ge [sflag:s30], $0x1400  }
0xe0: {  	[sflag:s30] =	ssyncset.done $0x0  }
0xe1: {  	s6 =	simm.s32 $0x2670;
	[sflag:s30] =	ssyncadd.s32 $0xFFFFEC00  }
0xe2: {  	[tilespmem:s18], [sflag:$0x1] =	stream.indirect.gather [hbm4b:s1+s16], $0x80, s6, s16, $0xb8;
	[tilespmem:$0x1FF80] =	vst v63  }
0xe3: {  	_ =	swait.ge [sflag:s29], $0x1400  }
0xe4: {  	[sflag:s29] =	ssyncset.done $0x0  }
0xe5: {  	s7 =	simm.s32 $0x2698;
	[sflag:s29] =	ssyncadd.s32 $0xFFFFEC00  }
0xe6: {  	[tilespmem:s19], [sflag:$0x2] =	stream.indirect.gather [hbm4b:s1+s16], $0x80, s7, s16, $0xb8;
	[tilespmem:$0x1FF80] =	vst v63  }
0xe7: {  	_ =	swait.ge [sflag:s31], $0x1400  }
0xe8: {  	[sflag:s31] =	ssyncset.done $0x0  }
0xe9: {  	s8 =	simm.s32 $0x26C0;
	[sflag:s31] =	ssyncadd.s32 $0xFFFFEC00  }
0xea: {  	[tilespmem:s21], [sflag:$0x3] =	stream.indirect.gather [hbm4b:s1+s16], $0x80, s8, s16, $0xb8;
	[tilespmem:$0x1FF80] =	vst v63  }
0xeb: {  	_ =	swait.ge [sflag:s0], $0x1400  }
0xec: {  	[sflag:s0] =	ssyncset.done $0x0  }
0xed: {  	s9 =	simm.s32 $0x26E8;
	[sflag:s0] =	ssyncadd.s32 $0xFFFFEC00  }
0xee: {  	[tilespmem:s23], [sflag:$0x4] =	stream.indirect.gather [hbm4b:s1+s16], $0x80, s9, s16, $0xb8;
	[tilespmem:$0x1FF80] =	vst v63  }
0xef: {  	_ =	swait.ge [sflag:s14], $0x1400  }
0xf0: {  	[sflag:s14] =	ssyncset.done $0x0  }
0xf1: {  	s10 =	simm.s32 $0x4DF0;
	[sflag:s14] =	ssyncadd.s32 $0xFFFFEC00  }
0xf2: {  	[spmem:s3] =	stream.indirect.scatter.add.f32 [tilespmem:s18], [sflag:$0x7], $0x80, s10, s16, $0xb8;
	[tilespmem:$0x1FF80] =	vst v63  }
0xf3: {  	_ =	swait.ge [sflag:s15], $0x1400  }
0xf4: {  	[sflag:s15] =	ssyncset.done $0x0  }
0xf5: {  	s11 =	simm.s32 $0x4E18;
	[sflag:s15] =	ssyncadd.s32 $0xFFFFEC00  }
0xf6: {  	[spmem:s3] =	stream.indirect.scatter.add.f32 [tilespmem:s19], [sflag:$0x8], $0x80, s11, s16, $0xb8;
	[tilespmem:$0x1FF80] =	vst v63  }
0xf7: {  	_ =	swait.ge [sflag:s20], $0x1400  }
0xf8: {  	[sflag:s20] =	ssyncset.done $0x0  }
0xf9: {  	s12 =	simm.s32 $0x4E40;
	[sflag:s20] =	ssyncadd.s32 $0xFFFFEC00  }
0xfa: {  	[spmem:s3] =	stream.indirect.scatter.add.f32 [tilespmem:s21], [sflag:$0x9], $0x80, s12, s16, $0xb8;
	[tilespmem:$0x1FF80] =	vst v63  }
0xfb: {  	_ =	swait.ge [sflag:s22], $0x1400  }
0xfc: {  	[sflag:s22] =	ssyncset.done $0x0  }
0xfd: {  	s13 =	simm.s32 $0x4E68;
	[sflag:s22] =	ssyncadd.s32 $0xFFFFEC00  }
0xfe: {  	[spmem:s3] =	stream.indirect.scatter.add.f32 [tilespmem:s23], [sflag:$0xA], $0x80, s13, s16, $0xb8;
	[tilespmem:$0x1FF80] =	vst v63  }
0xff: {  	_ =	swait.ge [sflag:s30], $0x1400  }
0x100: {  	[sflag:s30] =	ssyncset.done $0x0  }
0x101: {  	[sflag:s30] =	ssyncadd.s32 $0xFFFFEC00  }
0x102: {  	_ =	swait.ge [sflag:s29], $0x1400  }
0x103: {  	[sflag:s29] =	ssyncset.done $0x0  }
0x104: {  	[sflag:s29] =	ssyncadd.s32 $0xFFFFEC00  }
0x105: {  	_ =	swait.ge [sflag:s31], $0x1400  }
0x106: {  	[sflag:s31] =	ssyncset.done $0x0  }
0x107: {  	[sflag:s31] =	ssyncadd.s32 $0xFFFFEC00  }
0x108: {  	_ =	swait.ge [sflag:s0], $0x1400  }
0x109: {  	[sflag:s0] =	ssyncset.done $0x0  }
0x10a: {  	s26 =	simm.s32 $0xB;
	[sflag:s0] =	ssyncadd.s32 $0xFFFFEC00  }
0x10b: {  	_ =	swait.ge [sflag:s26], $0x1400  }
0x10c: {  	[sflag:s26] =	ssyncset.done $0x0  }
0x10d: {  	s28 =	simm.s32 $0xC;
	[sflag:s26] =	ssyncadd.s32 $0xFFFFEC00  }
0x10e: {  	_ =	swait.ge [sflag:s28], $0x1400  }
0x10f: {  	[sflag:s28] =	ssyncset.done $0x0  }
0x110: {  	[sflag:s28] =	ssyncadd.s32 $0xFFFFEC00  }
0x111: {  	[bflag:$0x0] =	sbarrier.arrive $0xFFFF  }
0x112: {  	s4 =	rddreg [dreg:$0x9]  }
0x113: {  	s5 =	rddreg [dreg:$0x8]  }
0x114: {  	s7 =	rddreg [dreg:$0xc];
	s4 =	sor.u32 @!p0 $0x1C0D, s4  }
0x115: {  	[hbm:s5], [sflag:s4] =	dma.local @!p0 [spmem:s7], $0x3E80  }
0x116: {  	s4 =	simm.s32 @!p0 $0xD  }
0x117: {  	_ =	swait.ge @!p0 [sflag:s4], $0x3E80  }
0x118: {  	s2 =	sadd.s32 $0x1, s2;
	s30 =	rddreg [dreg:$0xa]  }
0x119: {  	p1 =	sne.s32 s2, s30  }
.Ltmp1:
0x11a: {  	_ = 	snop;
	(pc) =	sbr.rel @p1 .LBB2_1-.Ltmp1, $3  }
0x11b: {  	_ =	sdelay $0x1  }
0x11c: {  	[sflag:s4] =	ssyncset.done @!p0 $0x0  }
0x11d: {  	[sflag:s4] =	ssyncadd.s32 @!p0 $0xFFFFC180  }
0x11e: {  	_ =	sfence.sel $0x180000  }
0x11f: {  	[bflag:$0x0] =	sbarrier.arrive $0xFFFF  }
0x120: {  	_ =	strace $0x90000047  }
0x121: {  	s0 =	stileid.u32;
	[bflag:$0x2] =	sbarrier.arrive $0xFFFF  }
0x122: {  	p0 =	sne.s32 s0, $0x0;
	s0 =	rddreg [dreg:$0x3]  }
0x123: {  	s0 =	sadd.s32 @!p0 $0x100000, s0  }
0x124: {  	[sflag:s0] =	ssyncadd.tile.s32 @!p0 $0x1;
	_ =	shalt  }
.Lfunc_end2:
_tile_overlayer_lowered:
.L_overlay_start_2:
0x125: {  	(tag) =	ssettag $0x2  }
0x126: {  	s0 =	rddreg [dreg:$0x0];
	s2 =	stileid.u32  }
0x127: {  	s1 =	rddreg [dreg:$0x1];
	p0 =	sne.s32 s2, $0x0  }
0x128: {  	s3 =	rddreg [dreg:$0x2];
	[bflag:$0x3] =	sbarrier.arrive $0xFFFF;
	s2 =	simm.s32 @!p0 $0x1C0D  }
0x129: {  	[timem:s3], [sflag:s2] =	dma.local @!p0 [hbm:s0], s1  }
0x12a: {  	s0 =	simm.s32 @!p0 $0xD  }
0x12b: {  	_ =	swait.ge @!p0 [sflag:s0], s1  }
0x12c: {  	s1 =	ssub.s32 @!p0 $0x0, s1;
	[sflag:s0] =	ssyncset.done @!p0 $0x0  }
0x12d: {  	[sflag:s0] =	ssyncadd.s32 @!p0 s1  }
0x12e: {  	[bflag:$0x3] =	sbarrier.arrive $0xFFFF  }
0x12f: {  	_ =	shalt  }

</sc_bundles>
